<compile_context>
chip_gen: v7x
topology: tpu7x:2x2x1
jax: 0.10.2.dev20260603
libtpu: 0.0.44.dev20260713+nightly
codegen_flags: <defaults>
</compile_context>

<pallas_src>
import jax
import jax.numpy as jnp
from jax.experimental import pallas as pl

_N = 15
_M = 64
_R = 32
_RN = _R * _N
_U = 8
_MAX_COV = 10.0
_F32 = jnp.float32


def _attn_block(feat_ref, cx_ref, cy_ref, cz_ref, repmask_ref, spread_ref,
                sel3_ref, prob_ref, pos_ref, cov_ref, idx_ref):
    lane8 = jax.lax.broadcasted_iota(jnp.int32, (_RN, 8), 1)
    lane64 = jax.lax.broadcasted_iota(jnp.int32, (_RN, _M), 1)
    repmask = repmask_ref[...]
    spread = spread_ref[...]
    sel3 = sel3_ref[...]
    repl = repmask[:, 3 * _R:4 * _R]
    for u in range(_U):
        _attn_sub(u, feat_ref, cx_ref, cy_ref, cz_ref, repmask, spread,
                  sel3, repl, lane8, lane64, prob_ref, pos_ref, cov_ref,
                  idx_ref)


def _attn_sub(u, feat_ref, cx_ref, cy_ref, cz_ref, repmask, spread, sel3,
              repl, lane8, lane64, prob_ref, pos_ref, cov_ref, idx_ref):
    sl = slice(u * _RN, (u + 1) * _RN)
    cl = slice(u * _R, (u + 1) * _R)
    feat = feat_ref[sl, :]

    sq = feat * feat
    n2b = jnp.dot(sq, sel3, preferred_element_type=_F32)
    rden = jax.lax.rsqrt(jnp.maximum(n2b, 1e-24))
    pdq = feat * rden[:, 0:8]
    pdq = jnp.where(lane8 == 3, 1.0, pdq)
    val = jnp.dot(pdq, spread, preferred_element_type=_F32)
    qm = val * repmask

    cx = cx_ref[cl, :]
    cy = cy_ref[cl, :]
    cz = cz_ref[cl, :]
    n2cam = cx * cx + cy * cy + cz * cz
    maskf = jnp.where(n2cam < 1e-8, -1e30, 0.0).astype(_F32)
    cm = jnp.concatenate([cx, cy, cz, maskf], axis=0)

    cos = jnp.dot(qm, cm, preferred_element_type=_F32)
    mx = jnp.max(cos, axis=-1, keepdims=True)
    e = jnp.exp(cos - mx)
    s = jnp.sum(e, axis=-1, keepdims=True)
    rs = 1.0 / s
    prob = e * rs
    prob_ref[sl, :] = prob

    idx = jnp.min(jnp.where(prob == rs, lane64, _M), axis=-1, keepdims=True)
    onehot = (lane64 == idx).astype(_F32)

    cxy = jnp.concatenate([cx, cy], axis=1)
    cambxy = jnp.dot(repl, cxy, preferred_element_type=_F32)
    cambz = jnp.dot(repl, cz, preferred_element_type=_F32)
    mcx = jnp.sum(onehot * cambxy[:, 0:_M], axis=-1, keepdims=True)
    mcy = jnp.sum(onehot * cambxy[:, _M:2 * _M], axis=-1, keepdims=True)
    mcz = jnp.sum(onehot * cambz, axis=-1, keepdims=True)

    dis = feat[:, 7:8]
    pos = jnp.concatenate([dis * mcx, dis * mcy, dis * mcz], axis=1)
    valid = mx > 0.99
    cov = jnp.clip((1.0 - mx) * 100.0, 0.01, _MAX_COV)
    pos_ref[sl, :] = jnp.where(valid, pos, feat[:, 0:3])
    cov_ref[sl, :] = jnp.where(valid, cov, _MAX_COV)
    idx_ref[sl, :] = jnp.where(valid, idx.astype(_F32), -1.0)


@jax.jit
def _run(others_feat, others_cam):
    bsn = others_feat.shape[0] // _N
    cam3 = others_cam.reshape(bsn, _M, 3)
    cx = cam3[:, :, 0]
    cy = cam3[:, :, 1]
    cz = cam3[:, :, 2]

    row = jnp.arange(_RN, dtype=jnp.int32)[:, None]
    lane = jnp.arange(128, dtype=jnp.int32)[None, :]
    repmask = ((row // _N) == (lane % _R)).astype(_F32)
    spread = ((lane // _R) == jnp.arange(8, dtype=jnp.int32)[:, None]
              ).astype(_F32)
    sel3 = jnp.broadcast_to(
        (jnp.arange(8, dtype=jnp.int32)[:, None] < 3).astype(_F32), (8, 128))
    grid = (bsn // (_U * _R),)
    zmap = lambda i: (0, 0)
    prob, pos, cov, idx = pl.pallas_call(
        _attn_block,
        grid=grid,
        in_specs=[
            pl.BlockSpec((_U * _RN, 8), lambda i: (i, 0)),
            pl.BlockSpec((_U * _R, _M), lambda i: (i, 0)),
            pl.BlockSpec((_U * _R, _M), lambda i: (i, 0)),
            pl.BlockSpec((_U * _R, _M), lambda i: (i, 0)),
            pl.BlockSpec((_RN, 128), zmap),
            pl.BlockSpec((8, 128), zmap),
            pl.BlockSpec((8, 128), zmap),
        ],
        out_specs=[
            pl.BlockSpec((_U * _RN, _M), lambda i: (i, 0)),
            pl.BlockSpec((_U * _RN, 3), lambda i: (i, 0)),
            pl.BlockSpec((_U * _RN, 1), lambda i: (i, 0)),
            pl.BlockSpec((_U * _RN, 1), lambda i: (i, 0)),
        ],
        out_shape=[
            jax.ShapeDtypeStruct((bsn * _N, _M), _F32),
            jax.ShapeDtypeStruct((bsn * _N, 3), _F32),
            jax.ShapeDtypeStruct((bsn * _N, 1), _F32),
            jax.ShapeDtypeStruct((bsn * _N, 1), _F32),
        ],
    )(others_feat, cx, cy, cz, repmask, spread, sel3)

    scores = jnp.full((bsn, _N + 1, _M + 1), -jnp.inf, _F32)
    return (prob.reshape(bsn, _N, _M), pos.reshape(bsn, _N, 3),
            cov.reshape(bsn, _N, 1), scores, idx.reshape(bsn, _N, 1))


def kernel(others_feat, others_cam):
    return _run(others_feat, others_cam)

# --- scband reference (transcript-rebuilt; emitter-appended) ---
"""Pipeline reference for scband-gat-transformer-30760555773968 (READ-ONLY COPY).

The authoritative reference and input builder live on the scoring server;
editing this copy changes nothing except your own understanding.
"""

import jax, jax.numpy as jnp
import numpy as np

N = 15
M = 64
SWARM = 16
MAX_COV = 10.0
BS = 2048

def _normalize(x):
    nrm = jnp.linalg.norm(x, ord=2, axis=-1, keepdims=True)
    return x / jnp.maximum(nrm, 1e-12)

def _dot_attn(query, key, key_padding_mask):
    maskf = jnp.where(key_padding_mask, -jnp.inf, 0.0).astype(query.dtype)[:, None, :]
    cos_similarity = jnp.einsum('bnd,bmd->bnm', query, key) + maskf
    attn_weight = jax.nn.softmax(cos_similarity, axis=-1)
    return cos_similarity, attn_weight

def _cos_match(prior_dir, cam_dir, cam_lost_mask):
    bs, n, _ = prior_dir.shape
    m = cam_dir.shape[1]
    cos_sim, prob = _dot_attn(prior_dir, cam_dir, cam_lost_mask)
    indices = jnp.argmax(prob, axis=-1, keepdims=True)
    idx3 = jnp.broadcast_to(indices, (bs, n, 3))
    match_cam = jnp.take_along_axis(cam_dir, idx3, axis=1)
    match_cos = jnp.take_along_axis(cos_sim, indices, axis=2)
    cov = jnp.clip((1.0 - match_cos) * 100.0, 0.01, MAX_COV)
    match_valid = match_cos > 0.99
    attn_dir = _normalize(jnp.einsum('bnm,bmd->bnd', prob, cam_dir))
    gap = cam_dir[:, None, :, :] - attn_dir[:, :, None, :]
    gap_norm = jnp.linalg.norm(gap, ord=2, axis=-1)
    var = jnp.sum(prob * gap_norm, axis=-1, keepdims=True)
    indices = jnp.where(match_valid, indices, -1)
    cov = jnp.where(match_valid, cov, MAX_COV)
    return match_cam, prob, indices, cov, var

def _forward(others_feat, others_cam):
    n, m = N, M
    bsn = others_feat.shape[0] // n
    bs = bsn // (n + 1)
    others_prior_pos = others_feat[:, :3].reshape(bsn, n, 3)
    others_prior_dir = _normalize(others_prior_pos)
    cam = others_cam.reshape(bsn, -1, others_cam.shape[1])
    cam_lost_mask = jnp.linalg.norm(cam, ord=2, axis=2) < 1e-4
    cam_lost_split = cam_lost_mask.reshape(bs, n + 1, m)
    prior_dir_split = others_prior_dir.reshape(bs, n + 1, n, 3)
    cam_split = cam.reshape(bs, n + 1, m, 3)
    feat_split = others_feat.reshape(bs, n + 1, n, others_feat.shape[-1])
    pos_l, cov_l, prob_l, scores_l, idx_l = [], [], [], [], []
    for k in range(n + 1):
        pdk = prior_dir_split[:, k]
        camk = cam_split[:, k]
        lostk = cam_lost_split[:, k]
        featk = feat_split[:, k]
        disk = featk[:, :, -1]
        cond = jnp.all(lostk) | jnp.any(disk < 1e-4)
        match_cam, prob_c, idx_c, cov_c, _var = _cos_match(pdk, camk, lostk)
        pos_c = disk[:, :, None] * match_cam
        prob_k = jnp.where(cond, jnp.zeros((bs, n, m), jnp.float32), prob_c)
        cov_k = jnp.where(cond, jnp.full((bs, n, 1), MAX_COV, jnp.float32), cov_c)
        pos_k = jnp.where(cond, featk[:, :, :3], pos_c)
        idx_k = jnp.where(cond, jnp.full((bs, n, 1), -1.0, jnp.float32), idx_c.astype(jnp.float32))
        scores_k = jnp.full((bs, n + 1, m + 1), -jnp.inf, jnp.float32)
        pos_l.append(pos_k); cov_l.append(cov_k); prob_l.append(prob_k)
        scores_l.append(scores_k); idx_l.append(idx_k)
    out_pos = jnp.stack(pos_l, axis=1).reshape(bsn, n, 3)
    out_cov = jnp.stack(cov_l, axis=1).reshape(bsn, n, 1)
    out_prob = jnp.stack(prob_l, axis=1).reshape(bsn, n, m)
    out_scores = jnp.stack(scores_l, axis=1).reshape(bsn, n + 1, m + 1)
    out_indices = jnp.stack(idx_l, axis=1).reshape(bsn, n, 1)
    valid = out_indices > -1
    out_cov = jnp.where(valid, out_cov, MAX_COV)
    out_pos = jnp.where(valid, out_pos, others_prior_pos)
    return out_prob, out_pos, out_cov, out_scores, out_indices

def setup_inputs(seed: int = 0) -> dict:
    key = jax.random.key(seed)
    others_feat = jnp.arange(BS * SWARM * N * 8, dtype=jnp.float32).reshape(BS * SWARM * N, 8)
    others_cam = jax.random.normal(jax.random.fold_in(key, 1), (BS * SWARM * M, 3), dtype=jnp.float32)
    return {"others_feat": others_feat, "others_cam": others_cam}

def reference(others_feat, others_cam):
    return _forward(others_feat, others_cam)

if __name__ == "__main__":
    import jax
    _d = setup_inputs()
    print(jax.jit(kernel)(*tuple(_d.values())))

</pallas_src>

<mosaic_0001>
module attributes {stable_mosaic.version = 14 : i64} {
  func.func @_attn_block(%arg0: i32, %arg1: memref<3840x8xf32, #tpu.memory_space<vmem>>, %arg2: memref<256x64xf32, #tpu.memory_space<vmem>>, %arg3: memref<256x64xf32, #tpu.memory_space<vmem>>, %arg4: memref<256x64xf32, #tpu.memory_space<vmem>>, %arg5: memref<480x128xf32, #tpu.memory_space<vmem>>, %arg6: memref<8x128xf32, #tpu.memory_space<vmem>>, %arg7: memref<8x128xf32, #tpu.memory_space<vmem>>, %arg8: memref<3840x64xf32, #tpu.memory_space<vmem>>, %arg9: memref<3840x3xf32, #tpu.memory_space<vmem>>, %arg10: memref<3840x1xf32, #tpu.memory_space<vmem>>, %arg11: memref<3840x1xf32, #tpu.memory_space<vmem>>) attributes {dimension_semantics = [#tpu.dimension_semantics<arbitrary>], iteration_bounds = array<i64: 128>, scalar_prefetch = 0 : i64, scratch_operands = 0 : i64, tpu.core_type = #tpu.core_type<tc>, window_params = [{transform_indices = @transform_0, window_bounds = array<i64: 3840, 8>}, {transform_indices = @transform_1, window_bounds = array<i64: 256, 64>}, {transform_indices = @transform_2, window_bounds = array<i64: 256, 64>}, {transform_indices = @transform_3, window_bounds = array<i64: 256, 64>}, {pipeline_mode = #tpu.pipeline_mode<synchronous>, transform_indices = @transform_4, window_bounds = array<i64: 480, 128>}, {pipeline_mode = #tpu.pipeline_mode<synchronous>, transform_indices = @transform_5, window_bounds = array<i64: 8, 128>}, {pipeline_mode = #tpu.pipeline_mode<synchronous>, transform_indices = @transform_6, window_bounds = array<i64: 8, 128>}, {transform_indices = @transform_7, window_bounds = array<i64: 3840, 64>}, {transform_indices = @transform_8, window_bounds = array<i64: 3840, 3>}, {transform_indices = @transform_9, window_bounds = array<i64: 3840, 1>}, {transform_indices = @transform_10, window_bounds = array<i64: 3840, 1>}]} {
    %iota3A = tpu.iota {dimensions = array<i32: 1>} : vector<480x8xi32>
    %iota3A_0 = tpu.iota {dimensions = array<i32: 1>} : vector<480x64xi32>
    %get3A = arith.constant 0 : index
    %get3A_1 = arith.constant 0 : index
    %get3A_2 = vector.load %arg5[%get3A, %get3A_1] : memref<480x128xf32, #tpu.memory_space<vmem>>, vector<480x128xf32>
    %get3A_3 = arith.constant 0 : index
    %get3A_4 = arith.constant 0 : index
    %get3A_5 = vector.load %arg6[%get3A_3, %get3A_4] : memref<8x128xf32, #tpu.memory_space<vmem>>, vector<8x128xf32>
    %get3A_6 = arith.constant 0 : index
    %get3A_7 = arith.constant 0 : index
    %get3A_8 = vector.load %arg7[%get3A_6, %get3A_7] : memref<8x128xf32, #tpu.memory_space<vmem>>, vector<8x128xf32>
    %slice3A = vector.extract_strided_slice %get3A_2 {offsets = [0, 96], sizes = [480, 32], strides = [1, 1]} : vector<480x128xf32> to vector<480x32xf32>
    %get3A_9 = arith.constant 0 : index
    %get3A_10 = arith.constant 0 : index
    %get3A_11 = vector.load %arg1[%get3A_9, %get3A_10] : memref<3840x8xf32, #tpu.memory_space<vmem>>, vector<480x8xf32>
    %mul3A = arith.mulf %get3A_11, %get3A_11 : vector<480x8xf32>
    %dot_general3A = arith.constant dense<0.000000e+00> : vector<480x128xf32>
    %dot_general3A_12 = tpu.matmul %mul3A, %get3A_8, %dot_general3A {dimension_numbers = #tpu.dot_dimension_numbers<[1], [0], [0], [1], [0, 0, 1, 1], [], []>, transpose_lhs_hint = false} : vector<480x8xf32>, vector<8x128xf32>, vector<480x128xf32> -> vector<480x128xf32>
    %max3A = arith.constant 1.000000e-24 : f32
    %max3A_13 = vector.broadcast %max3A : f32 to vector<480x128xf32>
    %max3A_14 = arith.maximumf %dot_general3A_12, %max3A_13 : vector<480x128xf32>
    %rsqrt3A = math.rsqrt %max3A_14 : vector<480x128xf32>
    %slice3A_15 = vector.extract_strided_slice %rsqrt3A {offsets = [0, 0], sizes = [480, 8], strides = [1, 1]} : vector<480x128xf32> to vector<480x8xf32>
    %mul3A_16 = arith.mulf %get3A_11, %slice3A_15 : vector<480x8xf32>
    %eq3A = arith.constant 3 : i32
    %eq3A_17 = vector.broadcast %eq3A : i32 to vector<480x8xi32>
    %eq3A_18 = arith.cmpi eq, %iota3A, %eq3A_17 : vector<480x8xi32>
    %jit3A = arith.constant 1.000000e+00 : f32
    %broadcast_in_dim3A = vector.broadcast %jit3A : f32 to vector<480x8xf32>
    %select_n3A = arith.select %eq3A_18, %broadcast_in_dim3A, %mul3A_16 : vector<480x8xi1>, vector<480x8xf32>
    %dot_general3A_19 = arith.constant dense<0.000000e+00> : vector<480x128xf32>
    %dot_general3A_20 = tpu.matmul %select_n3A, %get3A_5, %dot_general3A_19 {dimension_numbers = #tpu.dot_dimension_numbers<[1], [0], [0], [1], [0, 0, 1, 1], [], []>, transpose_lhs_hint = false} : vector<480x8xf32>, vector<8x128xf32>, vector<480x128xf32> -> vector<480x128xf32>
    %mul3A_21 = arith.mulf %dot_general3A_20, %get3A_2 : vector<480x128xf32>
    %get3A_22 = arith.constant 0 : index
    %get3A_23 = arith.constant 0 : index
    %get3A_24 = vector.load %arg2[%get3A_22, %get3A_23] : memref<256x64xf32, #tpu.memory_space<vmem>>, vector<32x64xf32>
    %get3A_25 = arith.constant 0 : index
    %get3A_26 = arith.constant 0 : index
    %get3A_27 = vector.load %arg3[%get3A_25, %get3A_26] : memref<256x64xf32, #tpu.memory_space<vmem>>, vector<32x64xf32>
    %get3A_28 = arith.constant 0 : index
    %get3A_29 = arith.constant 0 : index
    %get3A_30 = vector.load %arg4[%get3A_28, %get3A_29] : memref<256x64xf32, #tpu.memory_space<vmem>>, vector<32x64xf32>
    %mul3A_31 = arith.mulf %get3A_24, %get3A_24 : vector<32x64xf32>
    %mul3A_32 = arith.mulf %get3A_27, %get3A_27 : vector<32x64xf32>
    %add3A = arith.addf %mul3A_31, %mul3A_32 : vector<32x64xf32>
    %mul3A_33 = arith.mulf %get3A_30, %get3A_30 : vector<32x64xf32>
    %add3A_34 = arith.addf %add3A, %mul3A_33 : vector<32x64xf32>
    %lt3A = arith.constant 9.99999993E-9 : f32
    %lt3A_35 = vector.broadcast %lt3A : f32 to vector<32x64xf32>
    %lt3A_36 = arith.cmpf olt, %add3A_34, %lt3A_35 : vector<32x64xf32>
    %jit3A_37 = arith.constant -1.000000e+30 : f32
    %jit3A_38 = arith.constant 0.000000e+00 : f32
    %broadcast_in_dim3A_39 = vector.broadcast %jit3A_37 : f32 to vector<32x64xf32>
    %broadcast_in_dim3A_40 = vector.broadcast %jit3A_38 : f32 to vector<32x64xf32>
    %select_n3A_41 = arith.select %lt3A_36, %broadcast_in_dim3A_39, %broadcast_in_dim3A_40 : vector<32x64xi1>, vector<32x64xf32>
    %concatenate3A = tpu.concatenate %get3A_24, %get3A_27, %get3A_30, %select_n3A_41 in 0 : vector<32x64xf32>, vector<32x64xf32>, vector<32x64xf32>, vector<32x64xf32> -> vector<128x64xf32>
    %dot_general3A_42 = arith.constant dense<0.000000e+00> : vector<480x64xf32>
    %dot_general3A_43 = tpu.matmul %mul3A_21, %concatenate3A, %dot_general3A_42 {dimension_numbers = #tpu.dot_dimension_numbers<[1], [0], [0], [1], [0, 0, 1, 1], [], []>, transpose_lhs_hint = false} : vector<480x128xf32>, vector<128x64xf32>, vector<480x64xf32> -> vector<480x64xf32>
    %reduce_max3A = arith.constant dense<0xFF800000> : vector<480xf32>
    %reduce_max3A_44 = vector.multi_reduction <maximumf>, %dot_general3A_43, %reduce_max3A [1] : vector<480x64xf32> to vector<480xf32>
    %broadcast_in_dim3A_45 = vector.shape_cast %reduce_max3A_44 : vector<480xf32> to vector<480x1xf32>
    %sub3A = vector.broadcast %broadcast_in_dim3A_45 : vector<480x1xf32> to vector<480x64xf32>
    %sub3A_46 = arith.subf %dot_general3A_43, %sub3A : vector<480x64xf32>
    %exp3A = math.exp %sub3A_46 : vector<480x64xf32>
    %reduce_sum3A = arith.constant dense<0.000000e+00> : vector<480xf32>
    %reduce_sum3A_47 = vector.multi_reduction <add>, %exp3A, %reduce_sum3A [1] : vector<480x64xf32> to vector<480xf32>
    %broadcast_in_dim3A_48 = vector.shape_cast %reduce_sum3A_47 : vector<480xf32> to vector<480x1xf32>
    %div3A = arith.constant 1.000000e+00 : f32
    %div3A_49 = vector.broadcast %div3A : f32 to vector<480x1xf32>
    %div3A_50 = arith.divf %div3A_49, %broadcast_in_dim3A_48 : vector<480x1xf32>
    %mul3A_51 = vector.broadcast %div3A_50 : vector<480x1xf32> to vector<480x64xf32>
    %mul3A_52 = arith.mulf %exp3A, %mul3A_51 : vector<480x64xf32>
    %swap3A = arith.constant 0 : index
    %swap3A_53 = arith.constant 0 : index
    %swap3A_54 = vector.load %arg8[%swap3A, %swap3A_53] : memref<3840x64xf32, #tpu.memory_space<vmem>>, vector<480x64xf32>
    tpu.vector_store %arg8[%swap3A, %swap3A_53], %mul3A_52 {strides = array<i32>} : memref<3840x64xf32, #tpu.memory_space<vmem>>, vector<480x64xf32>,
    %eq3A_55 = vector.broadcast %div3A_50 : vector<480x1xf32> to vector<480x64xf32>
    %eq3A_56 = arith.cmpf oeq, %mul3A_52, %eq3A_55 : vector<480x64xf32>
    %jit3A_57 = arith.constant 64 : i32
    %broadcast_in_dim3A_58 = vector.broadcast %jit3A_57 : i32 to vector<480x64xi32>
    %select_n3A_59 = arith.select %eq3A_56, %iota3A_0, %broadcast_in_dim3A_58 : vector<480x64xi1>, vector<480x64xi32>
    %reduce_min3A = arith.constant dense<2147483647> : vector<480xi32>
    %reduce_min3A_60 = vector.multi_reduction <minsi>, %select_n3A_59, %reduce_min3A [1] : vector<480x64xi32> to vector<480xi32>
    %broadcast_in_dim3A_61 = vector.shape_cast %reduce_min3A_60 : vector<480xi32> to vector<480x1xi32>
    %eq3A_62 = vector.broadcast %broadcast_in_dim3A_61 : vector<480x1xi32> to vector<480x64xi32>
    %eq3A_63 = arith.cmpi eq, %iota3A_0, %eq3A_62 : vector<480x64xi32>
    %convert_element_type3A = arith.extui %eq3A_63 : vector<480x64xi1> to vector<480x64xi32>
    %convert_element_type3A_64 = arith.sitofp %convert_element_type3A : vector<480x64xi32> to vector<480x64xf32>
    %concatenate3A_65 = tpu.concatenate %get3A_24, %get3A_27 in 1 : vector<32x64xf32>, vector<32x64xf32> -> vector<32x128xf32>
    %dot_general3A_66 = arith.constant dense<0.000000e+00> : vector<480x128xf32>
    %dot_general3A_67 = tpu.matmul %slice3A, %concatenate3A_65, %dot_general3A_66 {dimension_numbers = #tpu.dot_dimension_numbers<[1], [0], [0], [1], [0, 0, 1, 1], [], []>, transpose_lhs_hint = false} : vector<480x32xf32>, vector<32x128xf32>, vector<480x128xf32> -> vector<480x128xf32>
    %dot_general3A_68 = arith.constant dense<0.000000e+00> : vector<480x64xf32>
    %dot_general3A_69 = tpu.matmul %slice3A, %get3A_30, %dot_general3A_68 {dimension_numbers = #tpu.dot_dimension_numbers<[1], [0], [0], [1], [0, 0, 1, 1], [], []>, transpose_lhs_hint = false} : vector<480x32xf32>, vector<32x64xf32>, vector<480x64xf32> -> vector<480x64xf32>
    %slice3A_70 = vector.extract_strided_slice %dot_general3A_67 {offsets = [0, 0], sizes = [480, 64], strides = [1, 1]} : vector<480x128xf32> to vector<480x64xf32>
    %mul3A_71 = arith.mulf %convert_element_type3A_64, %slice3A_70 : vector<480x64xf32>
    %reduce_sum3A_72 = arith.constant dense<0.000000e+00> : vector<480xf32>
    %reduce_sum3A_73 = vector.multi_reduction <add>, %mul3A_71, %reduce_sum3A_72 [1] : vector<480x64xf32> to vector<480xf32>
    %broadcast_in_dim3A_74 = vector.shape_cast %reduce_sum3A_73 : vector<480xf32> to vector<480x1xf32>
    %slice3A_75 = vector.extract_strided_slice %dot_general3A_67 {offsets = [0, 64], sizes = [480, 64], strides = [1, 1]} : vector<480x128xf32> to vector<480x64xf32>
    %mul3A_76 = arith.mulf %convert_element_type3A_64, %slice3A_75 : vector<480x64xf32>
    %reduce_sum3A_77 = arith.constant dense<0.000000e+00> : vector<480xf32>
    %reduce_sum3A_78 = vector.multi_reduction <add>, %mul3A_76, %reduce_sum3A_77 [1] : vector<480x64xf32> to vector<480xf32>
    %broadcast_in_dim3A_79 = vector.shape_cast %reduce_sum3A_78 : vector<480xf32> to vector<480x1xf32>
    %mul3A_80 = arith.mulf %convert_element_type3A_64, %dot_general3A_69 : vector<480x64xf32>
    %reduce_sum3A_81 = arith.constant dense<0.000000e+00> : vector<480xf32>
    %reduce_sum3A_82 = vector.multi_reduction <add>, %mul3A_80, %reduce_sum3A_81 [1] : vector<480x64xf32> to vector<480xf32>
    %broadcast_in_dim3A_83 = vector.shape_cast %reduce_sum3A_82 : vector<480xf32> to vector<480x1xf32>
    %slice3A_84 = vector.extract_strided_slice %get3A_11 {offsets = [0, 7], sizes = [480, 1], strides = [1, 1]} : vector<480x8xf32> to vector<480x1xf32>
    %mul3A_85 = arith.mulf %slice3A_84, %broadcast_in_dim3A_74 : vector<480x1xf32>
    %mul3A_86 = arith.mulf %slice3A_84, %broadcast_in_dim3A_79 : vector<480x1xf32>
    %mul3A_87 = arith.mulf %slice3A_84, %broadcast_in_dim3A_83 : vector<480x1xf32>
    %concatenate3A_88 = tpu.concatenate %mul3A_85, %mul3A_86, %mul3A_87 in 1 : vector<480x1xf32>, vector<480x1xf32>, vector<480x1xf32> -> vector<480x3xf32>
    %gt3A = arith.constant 9.900000e-01 : f32
    %gt3A_89 = vector.broadcast %gt3A : f32 to vector<480x1xf32>
    %gt3A_90 = arith.cmpf ogt, %broadcast_in_dim3A_45, %gt3A_89 : vector<480x1xf32>
    %sub3A_91 = arith.constant 1.000000e+00 : f32
    %sub3A_92 = vector.broadcast %sub3A_91 : f32 to vector<480x1xf32>
    %sub3A_93 = arith.subf %sub3A_92, %broadcast_in_dim3A_45 : vector<480x1xf32>
    %mul3A_94 = arith.constant 1.000000e+02 : f32
    %mul3A_95 = vector.broadcast %mul3A_94 : f32 to vector<480x1xf32>
    %mul3A_96 = arith.mulf %sub3A_93, %mul3A_95 : vector<480x1xf32>
    %jit3A_97 = arith.constant 0.00999999977 : f32
    %jit3A_98 = arith.constant 1.000000e+01 : f32
    %max3A_99 = vector.broadcast %jit3A_97 : f32 to vector<480x1xf32>
    %max3A_100 = arith.maximumf %max3A_99, %mul3A_96 : vector<480x1xf32>
    %min3A = vector.broadcast %jit3A_98 : f32 to vector<480x1xf32>
    %min3A_101 = arith.minimumf %min3A, %max3A_100 : vector<480x1xf32>
    %slice3A_102 = vector.extract_strided_slice %get3A_11 {offsets = [0, 0], sizes = [480, 3], strides = [1, 1]} : vector<480x8xf32> to vector<480x3xf32>
    %broadcast_in_dim3A_103 = vector.shape_cast %gt3A_90 : vector<480x1xi1> to vector<480x1xi1>
    %broadcast_in_dim3A_104 = vector.broadcast %broadcast_in_dim3A_103 : vector<480x1xi1> to vector<480x3xi1>
    %select_n3A_105 = arith.select %broadcast_in_dim3A_104, %concatenate3A_88, %slice3A_102 : vector<480x3xi1>, vector<480x3xf32>
    %swap3A_106 = arith.constant 0 : index
    %swap3A_107 = arith.constant 0 : index
    %swap3A_108 = vector.load %arg9[%swap3A_106, %swap3A_107] : memref<3840x3xf32, #tpu.memory_space<vmem>>, vector<480x3xf32>
    tpu.vector_store %arg9[%swap3A_106, %swap3A_107], %select_n3A_105 {strides = array<i32>} : memref<3840x3xf32, #tpu.memory_space<vmem>>, vector<480x3xf32>,
    %jit3A_109 = arith.constant 1.000000e+01 : f32
    %broadcast_in_dim3A_110 = vector.broadcast %jit3A_109 : f32 to vector<480x1xf32>
    %select_n3A_111 = arith.select %gt3A_90, %min3A_101, %broadcast_in_dim3A_110 : vector<480x1xi1>, vector<480x1xf32>
    %swap3A_112 = arith.constant 0 : index
    %swap3A_113 = arith.constant 0 : index
    %swap3A_114 = vector.load %arg10[%swap3A_112, %swap3A_113] : memref<3840x1xf32, #tpu.memory_space<vmem>>, vector<480x1xf32>
    tpu.vector_store %arg10[%swap3A_112, %swap3A_113], %select_n3A_111 {strides = array<i32>} : memref<3840x1xf32, #tpu.memory_space<vmem>>, vector<480x1xf32>,
    %convert_element_type3A_115 = arith.sitofp %broadcast_in_dim3A_61 : vector<480x1xi32> to vector<480x1xf32>
    %jit3A_116 = arith.constant -1.000000e+00 : f32
    %broadcast_in_dim3A_117 = vector.broadcast %jit3A_116 : f32 to vector<480x1xf32>
    %select_n3A_118 = arith.select %gt3A_90, %convert_element_type3A_115, %broadcast_in_dim3A_117 : vector<480x1xi1>, vector<480x1xf32>
    %swap3A_119 = arith.constant 0 : index
    %swap3A_120 = arith.constant 0 : index
    %swap3A_121 = vector.load %arg11[%swap3A_119, %swap3A_120] : memref<3840x1xf32, #tpu.memory_space<vmem>>, vector<480x1xf32>
    tpu.vector_store %arg11[%swap3A_119, %swap3A_120], %select_n3A_118 {strides = array<i32>} : memref<3840x1xf32, #tpu.memory_space<vmem>>, vector<480x1xf32>,
    %get3A_122 = arith.constant 480 : index
    %get3A_123 = arith.constant 0 : index
    %get3A_124 = vector.load %arg1[%get3A_122, %get3A_123] : memref<3840x8xf32, #tpu.memory_space<vmem>>, vector<480x8xf32>
    %mul3A_125 = arith.mulf %get3A_124, %get3A_124 : vector<480x8xf32>
    %dot_general3A_126 = arith.constant dense<0.000000e+00> : vector<480x128xf32>
    %dot_general3A_127 = tpu.matmul %mul3A_125, %get3A_8, %dot_general3A_126 {dimension_numbers = #tpu.dot_dimension_numbers<[1], [0], [0], [1], [0, 0, 1, 1], [], []>, transpose_lhs_hint = false} : vector<480x8xf32>, vector<8x128xf32>, vector<480x128xf32> -> vector<480x128xf32>
    %max3A_128 = arith.constant 1.000000e-24 : f32
    %max3A_129 = vector.broadcast %max3A_128 : f32 to vector<480x128xf32>
    %max3A_130 = arith.maximumf %dot_general3A_127, %max3A_129 : vector<480x128xf32>
    %rsqrt3A_131 = math.rsqrt %max3A_130 : vector<480x128xf32>
    %slice3A_132 = vector.extract_strided_slice %rsqrt3A_131 {offsets = [0, 0], sizes = [480, 8], strides = [1, 1]} : vector<480x128xf32> to vector<480x8xf32>
    %mul3A_133 = arith.mulf %get3A_124, %slice3A_132 : vector<480x8xf32>
    %eq3A_134 = arith.constant 3 : i32
    %eq3A_135 = vector.broadcast %eq3A_134 : i32 to vector<480x8xi32>
    %eq3A_136 = arith.cmpi eq, %iota3A, %eq3A_135 : vector<480x8xi32>
    %jit3A_137 = arith.constant 1.000000e+00 : f32
    %broadcast_in_dim3A_138 = vector.broadcast %jit3A_137 : f32 to vector<480x8xf32>
    %select_n3A_139 = arith.select %eq3A_136, %broadcast_in_dim3A_138, %mul3A_133 : vector<480x8xi1>, vector<480x8xf32>
    %dot_general3A_140 = arith.constant dense<0.000000e+00> : vector<480x128xf32>
    %dot_general3A_141 = tpu.matmul %select_n3A_139, %get3A_5, %dot_general3A_140 {dimension_numbers = #tpu.dot_dimension_numbers<[1], [0], [0], [1], [0, 0, 1, 1], [], []>, transpose_lhs_hint = false} : vector<480x8xf32>, vector<8x128xf32>, vector<480x128xf32> -> vector<480x128xf32>
    %mul3A_142 = arith.mulf %dot_general3A_141, %get3A_2 : vector<480x128xf32>
    %get3A_143 = arith.constant 32 : index
    %get3A_144 = arith.constant 0 : index
    %get3A_145 = vector.load %arg2[%get3A_143, %get3A_144] : memref<256x64xf32, #tpu.memory_space<vmem>>, vector<32x64xf32>
    %get3A_146 = arith.constant 32 : index
    %get3A_147 = arith.constant 0 : index
    %get3A_148 = vector.load %arg3[%get3A_146, %get3A_147] : memref<256x64xf32, #tpu.memory_space<vmem>>, vector<32x64xf32>
    %get3A_149 = arith.constant 32 : index
    %get3A_150 = arith.constant 0 : index
    %get3A_151 = vector.load %arg4[%get3A_149, %get3A_150] : memref<256x64xf32, #tpu.memory_space<vmem>>, vector<32x64xf32>
    %mul3A_152 = arith.mulf %get3A_145, %get3A_145 : vector<32x64xf32>
    %mul3A_153 = arith.mulf %get3A_148, %get3A_148 : vector<32x64xf32>
    %add3A_154 = arith.addf %mul3A_152, %mul3A_153 : vector<32x64xf32>
    %mul3A_155 = arith.mulf %get3A_151, %get3A_151 : vector<32x64xf32>
    %add3A_156 = arith.addf %add3A_154, %mul3A_155 : vector<32x64xf32>
    %lt3A_157 = arith.constant 9.99999993E-9 : f32
    %lt3A_158 = vector.broadcast %lt3A_157 : f32 to vector<32x64xf32>
    %lt3A_159 = arith.cmpf olt, %add3A_156, %lt3A_158 : vector<32x64xf32>
    %jit3A_160 = arith.constant -1.000000e+30 : f32
    %jit3A_161 = arith.constant 0.000000e+00 : f32
    %broadcast_in_dim3A_162 = vector.broadcast %jit3A_160 : f32 to vector<32x64xf32>
    %broadcast_in_dim3A_163 = vector.broadcast %jit3A_161 : f32 to vector<32x64xf32>
    %select_n3A_164 = arith.select %lt3A_159, %broadcast_in_dim3A_162, %broadcast_in_dim3A_163 : vector<32x64xi1>, vector<32x64xf32>
    %concatenate3A_165 = tpu.concatenate %get3A_145, %get3A_148, %get3A_151, %select_n3A_164 in 0 : vector<32x64xf32>, vector<32x64xf32>, vector<32x64xf32>, vector<32x64xf32> -> vector<128x64xf32>
    %dot_general3A_166 = arith.constant dense<0.000000e+00> : vector<480x64xf32>
    %dot_general3A_167 = tpu.matmul %mul3A_142, %concatenate3A_165, %dot_general3A_166 {dimension_numbers = #tpu.dot_dimension_numbers<[1], [0], [0], [1], [0, 0, 1, 1], [], []>, transpose_lhs_hint = false} : vector<480x128xf32>, vector<128x64xf32>, vector<480x64xf32> -> vector<480x64xf32>
    %reduce_max3A_168 = arith.constant dense<0xFF800000> : vector<480xf32>
    %reduce_max3A_169 = vector.multi_reduction <maximumf>, %dot_general3A_167, %reduce_max3A_168 [1] : vector<480x64xf32> to vector<480xf32>
    %broadcast_in_dim3A_170 = vector.shape_cast %reduce_max3A_169 : vector<480xf32> to vector<480x1xf32>
    %sub3A_171 = vector.broadcast %broadcast_in_dim3A_170 : vector<480x1xf32> to vector<480x64xf32>
    %sub3A_172 = arith.subf %dot_general3A_167, %sub3A_171 : vector<480x64xf32>
    %exp3A_173 = math.exp %sub3A_172 : vector<480x64xf32>
    %reduce_sum3A_174 = arith.constant dense<0.000000e+00> : vector<480xf32>
    %reduce_sum3A_175 = vector.multi_reduction <add>, %exp3A_173, %reduce_sum3A_174 [1] : vector<480x64xf32> to vector<480xf32>
    %broadcast_in_dim3A_176 = vector.shape_cast %reduce_sum3A_175 : vector<480xf32> to vector<480x1xf32>
    %div3A_177 = arith.constant 1.000000e+00 : f32
    %div3A_178 = vector.broadcast %div3A_177 : f32 to vector<480x1xf32>
    %div3A_179 = arith.divf %div3A_178, %broadcast_in_dim3A_176 : vector<480x1xf32>
    %mul3A_180 = vector.broadcast %div3A_179 : vector<480x1xf32> to vector<480x64xf32>
    %mul3A_181 = arith.mulf %exp3A_173, %mul3A_180 : vector<480x64xf32>
    %swap3A_182 = arith.constant 480 : index
    %swap3A_183 = arith.constant 0 : index
    %swap3A_184 = vector.load %arg8[%swap3A_182, %swap3A_183] : memref<3840x64xf32, #tpu.memory_space<vmem>>, vector<480x64xf32>
    tpu.vector_store %arg8[%swap3A_182, %swap3A_183], %mul3A_181 {strides = array<i32>} : memref<3840x64xf32, #tpu.memory_space<vmem>>, vector<480x64xf32>,
    %eq3A_185 = vector.broadcast %div3A_179 : vector<480x1xf32> to vector<480x64xf32>
    %eq3A_186 = arith.cmpf oeq, %mul3A_181, %eq3A_185 : vector<480x64xf32>
    %jit3A_187 = arith.constant 64 : i32
    %broadcast_in_dim3A_188 = vector.broadcast %jit3A_187 : i32 to vector<480x64xi32>
    %select_n3A_189 = arith.select %eq3A_186, %iota3A_0, %broadcast_in_dim3A_188 : vector<480x64xi1>, vector<480x64xi32>
    %reduce_min3A_190 = arith.constant dense<2147483647> : vector<480xi32>
    %reduce_min3A_191 = vector.multi_reduction <minsi>, %select_n3A_189, %reduce_min3A_190 [1] : vector<480x64xi32> to vector<480xi32>
    %broadcast_in_dim3A_192 = vector.shape_cast %reduce_min3A_191 : vector<480xi32> to vector<480x1xi32>
    %eq3A_193 = vector.broadcast %broadcast_in_dim3A_192 : vector<480x1xi32> to vector<480x64xi32>
    %eq3A_194 = arith.cmpi eq, %iota3A_0, %eq3A_193 : vector<480x64xi32>
    %convert_element_type3A_195 = arith.extui %eq3A_194 : vector<480x64xi1> to vector<480x64xi32>
    %convert_element_type3A_196 = arith.sitofp %convert_element_type3A_195 : vector<480x64xi32> to vector<480x64xf32>
    %concatenate3A_197 = tpu.concatenate %get3A_145, %get3A_148 in 1 : vector<32x64xf32>, vector<32x64xf32> -> vector<32x128xf32>
    %dot_general3A_198 = arith.constant dense<0.000000e+00> : vector<480x128xf32>
    %dot_general3A_199 = tpu.matmul %slice3A, %concatenate3A_197, %dot_general3A_198 {dimension_numbers = #tpu.dot_dimension_numbers<[1], [0], [0], [1], [0, 0, 1, 1], [], []>, transpose_lhs_hint = false} : vector<480x32xf32>, vector<32x128xf32>, vector<480x128xf32> -> vector<480x128xf32>
    %dot_general3A_200 = arith.constant dense<0.000000e+00> : vector<480x64xf32>
    %dot_general3A_201 = tpu.matmul %slice3A, %get3A_151, %dot_general3A_200 {dimension_numbers = #tpu.dot_dimension_numbers<[1], [0], [0], [1], [0, 0, 1, 1], [], []>, transpose_lhs_hint = false} : vector<480x32xf32>, vector<32x64xf32>, vector<480x64xf32> -> vector<480x64xf32>
    %slice3A_202 = vector.extract_strided_slice %dot_general3A_199 {offsets = [0, 0], sizes = [480, 64], strides = [1, 1]} : vector<480x128xf32> to vector<480x64xf32>
    %mul3A_203 = arith.mulf %convert_element_type3A_196, %slice3A_202 : vector<480x64xf32>
    %reduce_sum3A_204 = arith.constant dense<0.000000e+00> : vector<480xf32>
    %reduce_sum3A_205 = vector.multi_reduction <add>, %mul3A_203, %reduce_sum3A_204 [1] : vector<480x64xf32> to vector<480xf32>
    %broadcast_in_dim3A_206 = vector.shape_cast %reduce_sum3A_205 : vector<480xf32> to vector<480x1xf32>
    %slice3A_207 = vector.extract_strided_slice %dot_general3A_199 {offsets = [0, 64], sizes = [480, 64], strides = [1, 1]} : vector<480x128xf32> to vector<480x64xf32>
    %mul3A_208 = arith.mulf %convert_element_type3A_196, %slice3A_207 : vector<480x64xf32>
    %reduce_sum3A_209 = arith.constant dense<0.000000e+00> : vector<480xf32>
    %reduce_sum3A_210 = vector.multi_reduction <add>, %mul3A_208, %reduce_sum3A_209 [1] : vector<480x64xf32> to vector<480xf32>
    %broadcast_in_dim3A_211 = vector.shape_cast %reduce_sum3A_210 : vector<480xf32> to vector<480x1xf32>
    %mul3A_212 = arith.mulf %convert_element_type3A_196, %dot_general3A_201 : vector<480x64xf32>
    %reduce_sum3A_213 = arith.constant dense<0.000000e+00> : vector<480xf32>
    %reduce_sum3A_214 = vector.multi_reduction <add>, %mul3A_212, %reduce_sum3A_213 [1] : vector<480x64xf32> to vector<480xf32>
    %broadcast_in_dim3A_215 = vector.shape_cast %reduce_sum3A_214 : vector<480xf32> to vector<480x1xf32>
    %slice3A_216 = vector.extract_strided_slice %get3A_124 {offsets = [0, 7], sizes = [480, 1], strides = [1, 1]} : vector<480x8xf32> to vector<480x1xf32>
    %mul3A_217 = arith.mulf %slice3A_216, %broadcast_in_dim3A_206 : vector<480x1xf32>
    %mul3A_218 = arith.mulf %slice3A_216, %broadcast_in_dim3A_211 : vector<480x1xf32>
    %mul3A_219 = arith.mulf %slice3A_216, %broadcast_in_dim3A_215 : vector<480x1xf32>
    %concatenate3A_220 = tpu.concatenate %mul3A_217, %mul3A_218, %mul3A_219 in 1 : vector<480x1xf32>, vector<480x1xf32>, vector<480x1xf32> -> vector<480x3xf32>
    %gt3A_221 = arith.constant 9.900000e-01 : f32
    %gt3A_222 = vector.broadcast %gt3A_221 : f32 to vector<480x1xf32>
    %gt3A_223 = arith.cmpf ogt, %broadcast_in_dim3A_170, %gt3A_222 : vector<480x1xf32>
    %sub3A_224 = arith.constant 1.000000e+00 : f32
    %sub3A_225 = vector.broadcast %sub3A_224 : f32 to vector<480x1xf32>
    %sub3A_226 = arith.subf %sub3A_225, %broadcast_in_dim3A_170 : vector<480x1xf32>
    %mul3A_227 = arith.constant 1.000000e+02 : f32
    %mul3A_228 = vector.broadcast %mul3A_227 : f32 to vector<480x1xf32>
    %mul3A_229 = arith.mulf %sub3A_226, %mul3A_228 : vector<480x1xf32>
    %jit3A_230 = arith.constant 0.00999999977 : f32
    %jit3A_231 = arith.constant 1.000000e+01 : f32
    %max3A_232 = vector.broadcast %jit3A_230 : f32 to vector<480x1xf32>
    %max3A_233 = arith.maximumf %max3A_232, %mul3A_229 : vector<480x1xf32>
    %min3A_234 = vector.broadcast %jit3A_231 : f32 to vector<480x1xf32>
    %min3A_235 = arith.minimumf %min3A_234, %max3A_233 : vector<480x1xf32>
    %slice3A_236 = vector.extract_strided_slice %get3A_124 {offsets = [0, 0], sizes = [480, 3], strides = [1, 1]} : vector<480x8xf32> to vector<480x3xf32>
    %broadcast_in_dim3A_237 = vector.shape_cast %gt3A_223 : vector<480x1xi1> to vector<480x1xi1>
    %broadcast_in_dim3A_238 = vector.broadcast %broadcast_in_dim3A_237 : vector<480x1xi1> to vector<480x3xi1>
    %select_n3A_239 = arith.select %broadcast_in_dim3A_238, %concatenate3A_220, %slice3A_236 : vector<480x3xi1>, vector<480x3xf32>
    %swap3A_240 = arith.constant 480 : index
    %swap3A_241 = arith.constant 0 : index
    %swap3A_242 = vector.load %arg9[%swap3A_240, %swap3A_241] : memref<3840x3xf32, #tpu.memory_space<vmem>>, vector<480x3xf32>
    tpu.vector_store %arg9[%swap3A_240, %swap3A_241], %select_n3A_239 {strides = array<i32>} : memref<3840x3xf32, #tpu.memory_space<vmem>>, vector<480x3xf32>,
    %jit3A_243 = arith.constant 1.000000e+01 : f32
    %broadcast_in_dim3A_244 = vector.broadcast %jit3A_243 : f32 to vector<480x1xf32>
    %select_n3A_245 = arith.select %gt3A_223, %min3A_235, %broadcast_in_dim3A_244 : vector<480x1xi1>, vector<480x1xf32>
    %swap3A_246 = arith.constant 480 : index
    %swap3A_247 = arith.constant 0 : index
    %swap3A_248 = vector.load %arg10[%swap3A_246, %swap3A_247] : memref<3840x1xf32, #tpu.memory_space<vmem>>, vector<480x1xf32>
    tpu.vector_store %arg10[%swap3A_246, %swap3A_247], %select_n3A_245 {strides = array<i32>} : memref<3840x1xf32, #tpu.memory_space<vmem>>, vector<480x1xf32>,
    %convert_element_type3A_249 = arith.sitofp %broadcast_in_dim3A_192 : vector<480x1xi32> to vector<480x1xf32>
    %jit3A_250 = arith.constant -1.000000e+00 : f32
    %broadcast_in_dim3A_251 = vector.broadcast %jit3A_250 : f32 to vector<480x1xf32>
    %select_n3A_252 = arith.select %gt3A_223, %convert_element_type3A_249, %broadcast_in_dim3A_251 : vector<480x1xi1>, vector<480x1xf32>
    %swap3A_253 = arith.constant 480 : index
    %swap3A_254 = arith.constant 0 : index
    %swap3A_255 = vector.load %arg11[%swap3A_253, %swap3A_254] : memref<3840x1xf32, #tpu.memory_space<vmem>>, vector<480x1xf32>
    tpu.vector_store %arg11[%swap3A_253, %swap3A_254], %select_n3A_252 {strides = array<i32>} : memref<3840x1xf32, #tpu.memory_space<vmem>>, vector<480x1xf32>,
    %get3A_256 = arith.constant 960 : index
    %get3A_257 = arith.constant 0 : index
    %get3A_258 = vector.load %arg1[%get3A_256, %get3A_257] : memref<3840x8xf32, #tpu.memory_space<vmem>>, vector<480x8xf32>
    %mul3A_259 = arith.mulf %get3A_258, %get3A_258 : vector<480x8xf32>
    %dot_general3A_260 = arith.constant dense<0.000000e+00> : vector<480x128xf32>
    %dot_general3A_261 = tpu.matmul %mul3A_259, %get3A_8, %dot_general3A_260 {dimension_numbers = #tpu.dot_dimension_numbers<[1], [0], [0], [1], [0, 0, 1, 1], [], []>, transpose_lhs_hint = false} : vector<480x8xf32>, vector<8x128xf32>, vector<480x128xf32> -> vector<480x128xf32>
    %max3A_262 = arith.constant 1.000000e-24 : f32
    %max3A_263 = vector.broadcast %max3A_262 : f32 to vector<480x128xf32>
    %max3A_264 = arith.maximumf %dot_general3A_261, %max3A_263 : vector<480x128xf32>
    %rsqrt3A_265 = math.rsqrt %max3A_264 : vector<480x128xf32>
    %slice3A_266 = vector.extract_strided_slice %rsqrt3A_265 {offsets = [0, 0], sizes = [480, 8], strides = [1, 1]} : vector<480x128xf32> to vector<480x8xf32>
    %mul3A_267 = arith.mulf %get3A_258, %slice3A_266 : vector<480x8xf32>
    %eq3A_268 = arith.constant 3 : i32
    %eq3A_269 = vector.broadcast %eq3A_268 : i32 to vector<480x8xi32>
    %eq3A_270 = arith.cmpi eq, %iota3A, %eq3A_269 : vector<480x8xi32>
    %jit3A_271 = arith.constant 1.000000e+00 : f32
    %broadcast_in_dim3A_272 = vector.broadcast %jit3A_271 : f32 to vector<480x8xf32>
    %select_n3A_273 = arith.select %eq3A_270, %broadcast_in_dim3A_272, %mul3A_267 : vector<480x8xi1>, vector<480x8xf32>
    %dot_general3A_274 = arith.constant dense<0.000000e+00> : vector<480x128xf32>
    %dot_general3A_275 = tpu.matmul %select_n3A_273, %get3A_5, %dot_general3A_274 {dimension_numbers = #tpu.dot_dimension_numbers<[1], [0], [0], [1], [0, 0, 1, 1], [], []>, transpose_lhs_hint = false} : vector<480x8xf32>, vector<8x128xf32>, vector<480x128xf32> -> vector<480x128xf32>
    %mul3A_276 = arith.mulf %dot_general3A_275, %get3A_2 : vector<480x128xf32>
    %get3A_277 = arith.constant 64 : index
    %get3A_278 = arith.constant 0 : index
    %get3A_279 = vector.load %arg2[%get3A_277, %get3A_278] : memref<256x64xf32, #tpu.memory_space<vmem>>, vector<32x64xf32>
    %get3A_280 = arith.constant 64 : index
    %get3A_281 = arith.constant 0 : index
    %get3A_282 = vector.load %arg3[%get3A_280, %get3A_281] : memref<256x64xf32, #tpu.memory_space<vmem>>, vector<32x64xf32>
    %get3A_283 = arith.constant 64 : index
    %get3A_284 = arith.constant 0 : index
    %get3A_285 = vector.load %arg4[%get3A_283, %get3A_284] : memref<256x64xf32, #tpu.memory_space<vmem>>, vector<32x64xf32>
    %mul3A_286 = arith.mulf %get3A_279, %get3A_279 : vector<32x64xf32>
    %mul3A_287 = arith.mulf %get3A_282, %get3A_282 : vector<32x64xf32>
    %add3A_288 = arith.addf %mul3A_286, %mul3A_287 : vector<32x64xf32>
    %mul3A_289 = arith.mulf %get3A_285, %get3A_285 : vector<32x64xf32>
    %add3A_290 = arith.addf %add3A_288, %mul3A_289 : vector<32x64xf32>
    %lt3A_291 = arith.constant 9.99999993E-9 : f32
    %lt3A_292 = vector.broadcast %lt3A_291 : f32 to vector<32x64xf32>
    %lt3A_293 = arith.cmpf olt, %add3A_290, %lt3A_292 : vector<32x64xf32>
    %jit3A_294 = arith.constant -1.000000e+30 : f32
    %jit3A_295 = arith.constant 0.000000e+00 : f32
    %broadcast_in_dim3A_296 = vector.broadcast %jit3A_294 : f32 to vector<32x64xf32>
    %broadcast_in_dim3A_297 = vector.broadcast %jit3A_295 : f32 to vector<32x64xf32>
    %select_n3A_298 = arith.select %lt3A_293, %broadcast_in_dim3A_296, %broadcast_in_dim3A_297 : vector<32x64xi1>, vector<32x64xf32>
    %concatenate3A_299 = tpu.concatenate %get3A_279, %get3A_282, %get3A_285, %select_n3A_298 in 0 : vector<32x64xf32>, vector<32x64xf32>, vector<32x64xf32>, vector<32x64xf32> -> vector<128x64xf32>
    %dot_general3A_300 = arith.constant dense<0.000000e+00> : vector<480x64xf32>
    %dot_general3A_301 = tpu.matmul %mul3A_276, %concatenate3A_299, %dot_general3A_300 {dimension_numbers = #tpu.dot_dimension_numbers<[1], [0], [0], [1], [0, 0, 1, 1], [], []>, transpose_lhs_hint = false} : vector<480x128xf32>, vector<128x64xf32>, vector<480x64xf32> -> vector<480x64xf32>
    %reduce_max3A_302 = arith.constant dense<0xFF800000> : vector<480xf32>
    %reduce_max3A_303 = vector.multi_reduction <maximumf>, %dot_general3A_301, %reduce_max3A_302 [1] : vector<480x64xf32> to vector<480xf32>
    %broadcast_in_dim3A_304 = vector.shape_cast %reduce_max3A_303 : vector<480xf32> to vector<480x1xf32>
    %sub3A_305 = vector.broadcast %broadcast_in_dim3A_304 : vector<480x1xf32> to vector<480x64xf32>
    %sub3A_306 = arith.subf %dot_general3A_301, %sub3A_305 : vector<480x64xf32>
    %exp3A_307 = math.exp %sub3A_306 : vector<480x64xf32>
    %reduce_sum3A_308 = arith.constant dense<0.000000e+00> : vector<480xf32>
    %reduce_sum3A_309 = vector.multi_reduction <add>, %exp3A_307, %reduce_sum3A_308 [1] : vector<480x64xf32> to vector<480xf32>
    %broadcast_in_dim3A_310 = vector.shape_cast %reduce_sum3A_309 : vector<480xf32> to vector<480x1xf32>
    %div3A_311 = arith.constant 1.000000e+00 : f32
    %div3A_312 = vector.broadcast %div3A_311 : f32 to vector<480x1xf32>
    %div3A_313 = arith.divf %div3A_312, %broadcast_in_dim3A_310 : vector<480x1xf32>
    %mul3A_314 = vector.broadcast %div3A_313 : vector<480x1xf32> to vector<480x64xf32>
    %mul3A_315 = arith.mulf %exp3A_307, %mul3A_314 : vector<480x64xf32>
    %swap3A_316 = arith.constant 960 : index
    %swap3A_317 = arith.constant 0 : index
    %swap3A_318 = vector.load %arg8[%swap3A_316, %swap3A_317] : memref<3840x64xf32, #tpu.memory_space<vmem>>, vector<480x64xf32>
    tpu.vector_store %arg8[%swap3A_316, %swap3A_317], %mul3A_315 {strides = array<i32>} : memref<3840x64xf32, #tpu.memory_space<vmem>>, vector<480x64xf32>,
    %eq3A_319 = vector.broadcast %div3A_313 : vector<480x1xf32> to vector<480x64xf32>
    %eq3A_320 = arith.cmpf oeq, %mul3A_315, %eq3A_319 : vector<480x64xf32>
    %jit3A_321 = arith.constant 64 : i32
    %broadcast_in_dim3A_322 = vector.broadcast %jit3A_321 : i32 to vector<480x64xi32>
    %select_n3A_323 = arith.select %eq3A_320, %iota3A_0, %broadcast_in_dim3A_322 : vector<480x64xi1>, vector<480x64xi32>
    %reduce_min3A_324 = arith.constant dense<2147483647> : vector<480xi32>
    %reduce_min3A_325 = vector.multi_reduction <minsi>, %select_n3A_323, %reduce_min3A_324 [1] : vector<480x64xi32> to vector<480xi32>
    %broadcast_in_dim3A_326 = vector.shape_cast %reduce_min3A_325 : vector<480xi32> to vector<480x1xi32>
    %eq3A_327 = vector.broadcast %broadcast_in_dim3A_326 : vector<480x1xi32> to vector<480x64xi32>
    %eq3A_328 = arith.cmpi eq, %iota3A_0, %eq3A_327 : vector<480x64xi32>
    %convert_element_type3A_329 = arith.extui %eq3A_328 : vector<480x64xi1> to vector<480x64xi32>
    %convert_element_type3A_330 = arith.sitofp %convert_element_type3A_329 : vector<480x64xi32> to vector<480x64xf32>
    %concatenate3A_331 = tpu.concatenate %get3A_279, %get3A_282 in 1 : vector<32x64xf32>, vector<32x64xf32> -> vector<32x128xf32>
    %dot_general3A_332 = arith.constant dense<0.000000e+00> : vector<480x128xf32>
    %dot_general3A_333 = tpu.matmul %slice3A, %concatenate3A_331, %dot_general3A_332 {dimension_numbers = #tpu.dot_dimension_numbers<[1], [0], [0], [1], [0, 0, 1, 1], [], []>, transpose_lhs_hint = false} : vector<480x32xf32>, vector<32x128xf32>, vector<480x128xf32> -> vector<480x128xf32>
    %dot_general3A_334 = arith.constant dense<0.000000e+00> : vector<480x64xf32>
    %dot_general3A_335 = tpu.matmul %slice3A, %get3A_285, %dot_general3A_334 {dimension_numbers = #tpu.dot_dimension_numbers<[1], [0], [0], [1], [0, 0, 1, 1], [], []>, transpose_lhs_hint = false} : vector<480x32xf32>, vector<32x64xf32>, vector<480x64xf32> -> vector<480x64xf32>
    %slice3A_336 = vector.extract_strided_slice %dot_general3A_333 {offsets = [0, 0], sizes = [480, 64], strides = [1, 1]} : vector<480x128xf32> to vector<480x64xf32>
    %mul3A_337 = arith.mulf %convert_element_type3A_330, %slice3A_336 : vector<480x64xf32>
    %reduce_sum3A_338 = arith.constant dense<0.000000e+00> : vector<480xf32>
    %reduce_sum3A_339 = vector.multi_reduction <add>, %mul3A_337, %reduce_sum3A_338 [1] : vector<480x64xf32> to vector<480xf32>
    %broadcast_in_dim3A_340 = vector.shape_cast %reduce_sum3A_339 : vector<480xf32> to vector<480x1xf32>
    %slice3A_341 = vector.extract_strided_slice %dot_general3A_333 {offsets = [0, 64], sizes = [480, 64], strides = [1, 1]} : vector<480x128xf32> to vector<480x64xf32>
    %mul3A_342 = arith.mulf %convert_element_type3A_330, %slice3A_341 : vector<480x64xf32>
    %reduce_sum3A_343 = arith.constant dense<0.000000e+00> : vector<480xf32>
    %reduce_sum3A_344 = vector.multi_reduction <add>, %mul3A_342, %reduce_sum3A_343 [1] : vector<480x64xf32> to vector<480xf32>
    %broadcast_in_dim3A_345 = vector.shape_cast %reduce_sum3A_344 : vector<480xf32> to vector<480x1xf32>
    %mul3A_346 = arith.mulf %convert_element_type3A_330, %dot_general3A_335 : vector<480x64xf32>
    %reduce_sum3A_347 = arith.constant dense<0.000000e+00> : vector<480xf32>
    %reduce_sum3A_348 = vector.multi_reduction <add>, %mul3A_346, %reduce_sum3A_347 [1] : vector<480x64xf32> to vector<480xf32>
    %broadcast_in_dim3A_349 = vector.shape_cast %reduce_sum3A_348 : vector<480xf32> to vector<480x1xf32>
    %slice3A_350 = vector.extract_strided_slice %get3A_258 {offsets = [0, 7], sizes = [480, 1], strides = [1, 1]} : vector<480x8xf32> to vector<480x1xf32>
    %mul3A_351 = arith.mulf %slice3A_350, %broadcast_in_dim3A_340 : vector<480x1xf32>
    %mul3A_352 = arith.mulf %slice3A_350, %broadcast_in_dim3A_345 : vector<480x1xf32>
    %mul3A_353 = arith.mulf %slice3A_350, %broadcast_in_dim3A_349 : vector<480x1xf32>
    %concatenate3A_354 = tpu.concatenate %mul3A_351, %mul3A_352, %mul3A_353 in 1 : vector<480x1xf32>, vector<480x1xf32>, vector<480x1xf32> -> vector<480x3xf32>
    %gt3A_355 = arith.constant 9.900000e-01 : f32
    %gt3A_356 = vector.broadcast %gt3A_355 : f32 to vector<480x1xf32>
    %gt3A_357 = arith.cmpf ogt, %broadcast_in_dim3A_304, %gt3A_356 : vector<480x1xf32>
    %sub3A_358 = arith.constant 1.000000e+00 : f32
    %sub3A_359 = vector.broadcast %sub3A_358 : f32 to vector<480x1xf32>
    %sub3A_360 = arith.subf %sub3A_359, %broadcast_in_dim3A_304 : vector<480x1xf32>
    %mul3A_361 = arith.constant 1.000000e+02 : f32
    %mul3A_362 = vector.broadcast %mul3A_361 : f32 to vector<480x1xf32>
    %mul3A_363 = arith.mulf %sub3A_360, %mul3A_362 : vector<480x1xf32>
    %jit3A_364 = arith.constant 0.00999999977 : f32
    %jit3A_365 = arith.constant 1.000000e+01 : f32
    %max3A_366 = vector.broadcast %jit3A_364 : f32 to vector<480x1xf32>
    %max3A_367 = arith.maximumf %max3A_366, %mul3A_363 : vector<480x1xf32>
    %min3A_368 = vector.broadcast %jit3A_365 : f32 to vector<480x1xf32>
    %min3A_369 = arith.minimumf %min3A_368, %max3A_367 : vector<480x1xf32>
    %slice3A_370 = vector.extract_strided_slice %get3A_258 {offsets = [0, 0], sizes = [480, 3], strides = [1, 1]} : vector<480x8xf32> to vector<480x3xf32>
    %broadcast_in_dim3A_371 = vector.shape_cast %gt3A_357 : vector<480x1xi1> to vector<480x1xi1>
    %broadcast_in_dim3A_372 = vector.broadcast %broadcast_in_dim3A_371 : vector<480x1xi1> to vector<480x3xi1>
    %select_n3A_373 = arith.select %broadcast_in_dim3A_372, %concatenate3A_354, %slice3A_370 : vector<480x3xi1>, vector<480x3xf32>
    %swap3A_374 = arith.constant 960 : index
    %swap3A_375 = arith.constant 0 : index
    %swap3A_376 = vector.load %arg9[%swap3A_374, %swap3A_375] : memref<3840x3xf32, #tpu.memory_space<vmem>>, vector<480x3xf32>
    tpu.vector_store %arg9[%swap3A_374, %swap3A_375], %select_n3A_373 {strides = array<i32>} : memref<3840x3xf32, #tpu.memory_space<vmem>>, vector<480x3xf32>,
    %jit3A_377 = arith.constant 1.000000e+01 : f32
    %broadcast_in_dim3A_378 = vector.broadcast %jit3A_377 : f32 to vector<480x1xf32>
    %select_n3A_379 = arith.select %gt3A_357, %min3A_369, %broadcast_in_dim3A_378 : vector<480x1xi1>, vector<480x1xf32>
    %swap3A_380 = arith.constant 960 : index
    %swap3A_381 = arith.constant 0 : index
    %swap3A_382 = vector.load %arg10[%swap3A_380, %swap3A_381] : memref<3840x1xf32, #tpu.memory_space<vmem>>, vector<480x1xf32>
    tpu.vector_store %arg10[%swap3A_380, %swap3A_381], %select_n3A_379 {strides = array<i32>} : memref<3840x1xf32, #tpu.memory_space<vmem>>, vector<480x1xf32>,
    %convert_element_type3A_383 = arith.sitofp %broadcast_in_dim3A_326 : vector<480x1xi32> to vector<480x1xf32>
    %jit3A_384 = arith.constant -1.000000e+00 : f32
    %broadcast_in_dim3A_385 = vector.broadcast %jit3A_384 : f32 to vector<480x1xf32>
    %select_n3A_386 = arith.select %gt3A_357, %convert_element_type3A_383, %broadcast_in_dim3A_385 : vector<480x1xi1>, vector<480x1xf32>
    %swap3A_387 = arith.constant 960 : index
    %swap3A_388 = arith.constant 0 : index
    %swap3A_389 = vector.load %arg11[%swap3A_387, %swap3A_388] : memref<3840x1xf32, #tpu.memory_space<vmem>>, vector<480x1xf32>
    tpu.vector_store %arg11[%swap3A_387, %swap3A_388], %select_n3A_386 {strides = array<i32>} : memref<3840x1xf32, #tpu.memory_space<vmem>>, vector<480x1xf32>,
    %get3A_390 = arith.constant 1440 : index
    %get3A_391 = arith.constant 0 : index
    %get3A_392 = vector.load %arg1[%get3A_390, %get3A_391] : memref<3840x8xf32, #tpu.memory_space<vmem>>, vector<480x8xf32>
    %mul3A_393 = arith.mulf %get3A_392, %get3A_392 : vector<480x8xf32>
    %dot_general3A_394 = arith.constant dense<0.000000e+00> : vector<480x128xf32>
    %dot_general3A_395 = tpu.matmul %mul3A_393, %get3A_8, %dot_general3A_394 {dimension_numbers = #tpu.dot_dimension_numbers<[1], [0], [0], [1], [0, 0, 1, 1], [], []>, transpose_lhs_hint = false} : vector<480x8xf32>, vector<8x128xf32>, vector<480x128xf32> -> vector<480x128xf32>
    %max3A_396 = arith.constant 1.000000e-24 : f32
    %max3A_397 = vector.broadcast %max3A_396 : f32 to vector<480x128xf32>
    %max3A_398 = arith.maximumf %dot_general3A_395, %max3A_397 : vector<480x128xf32>
    %rsqrt3A_399 = math.rsqrt %max3A_398 : vector<480x128xf32>
    %slice3A_400 = vector.extract_strided_slice %rsqrt3A_399 {offsets = [0, 0], sizes = [480, 8], strides = [1, 1]} : vector<480x128xf32> to vector<480x8xf32>
    %mul3A_401 = arith.mulf %get3A_392, %slice3A_400 : vector<480x8xf32>
    %eq3A_402 = arith.constant 3 : i32
    %eq3A_403 = vector.broadcast %eq3A_402 : i32 to vector<480x8xi32>
    %eq3A_404 = arith.cmpi eq, %iota3A, %eq3A_403 : vector<480x8xi32>
    %jit3A_405 = arith.constant 1.000000e+00 : f32
    %broadcast_in_dim3A_406 = vector.broadcast %jit3A_405 : f32 to vector<480x8xf32>
    %select_n3A_407 = arith.select %eq3A_404, %broadcast_in_dim3A_406, %mul3A_401 : vector<480x8xi1>, vector<480x8xf32>
    %dot_general3A_408 = arith.constant dense<0.000000e+00> : vector<480x128xf32>
    %dot_general3A_409 = tpu.matmul %select_n3A_407, %get3A_5, %dot_general3A_408 {dimension_numbers = #tpu.dot_dimension_numbers<[1], [0], [0], [1], [0, 0, 1, 1], [], []>, transpose_lhs_hint = false} : vector<480x8xf32>, vector<8x128xf32>, vector<480x128xf32> -> vector<480x128xf32>
    %mul3A_410 = arith.mulf %dot_general3A_409, %get3A_2 : vector<480x128xf32>
    %get3A_411 = arith.constant 96 : index
    %get3A_412 = arith.constant 0 : index
    %get3A_413 = vector.load %arg2[%get3A_411, %get3A_412] : memref<256x64xf32, #tpu.memory_space<vmem>>, vector<32x64xf32>
    %get3A_414 = arith.constant 96 : index
    %get3A_415 = arith.constant 0 : index
    %get3A_416 = vector.load %arg3[%get3A_414, %get3A_415] : memref<256x64xf32, #tpu.memory_space<vmem>>, vector<32x64xf32>
    %get3A_417 = arith.constant 96 : index
    %get3A_418 = arith.constant 0 : index
    %get3A_419 = vector.load %arg4[%get3A_417, %get3A_418] : memref<256x64xf32, #tpu.memory_space<vmem>>, vector<32x64xf32>
    %mul3A_420 = arith.mulf %get3A_413, %get3A_413 : vector<32x64xf32>
    %mul3A_421 = arith.mulf %get3A_416, %get3A_416 : vector<32x64xf32>
    %add3A_422 = arith.addf %mul3A_420, %mul3A_421 : vector<32x64xf32>
    %mul3A_423 = arith.mulf %get3A_419, %get3A_419 : vector<32x64xf32>
    %add3A_424 = arith.addf %add3A_422, %mul3A_423 : vector<32x64xf32>
    %lt3A_425 = arith.constant 9.99999993E-9 : f32
    %lt3A_426 = vector.broadcast %lt3A_425 : f32 to vector<32x64xf32>
    %lt3A_427 = arith.cmpf olt, %add3A_424, %lt3A_426 : vector<32x64xf32>
    %jit3A_428 = arith.constant -1.000000e+30 : f32
    %jit3A_429 = arith.constant 0.000000e+00 : f32
    %broadcast_in_dim3A_430 = vector.broadcast %jit3A_428 : f32 to vector<32x64xf32>
    %broadcast_in_dim3A_431 = vector.broadcast %jit3A_429 : f32 to vector<32x64xf32>
    %select_n3A_432 = arith.select %lt3A_427, %broadcast_in_dim3A_430, %broadcast_in_dim3A_431 : vector<32x64xi1>, vector<32x64xf32>
    %concatenate3A_433 = tpu.concatenate %get3A_413, %get3A_416, %get3A_419, %select_n3A_432 in 0 : vector<32x64xf32>, vector<32x64xf32>, vector<32x64xf32>, vector<32x64xf32> -> vector<128x64xf32>
    %dot_general3A_434 = arith.constant dense<0.000000e+00> : vector<480x64xf32>
    %dot_general3A_435 = tpu.matmul %mul3A_410, %concatenate3A_433, %dot_general3A_434 {dimension_numbers = #tpu.dot_dimension_numbers<[1], [0], [0], [1], [0, 0, 1, 1], [], []>, transpose_lhs_hint = false} : vector<480x128xf32>, vector<128x64xf32>, vector<480x64xf32> -> vector<480x64xf32>
    %reduce_max3A_436 = arith.constant dense<0xFF800000> : vector<480xf32>
    %reduce_max3A_437 = vector.multi_reduction <maximumf>, %dot_general3A_435, %reduce_max3A_436 [1] : vector<480x64xf32> to vector<480xf32>
    %broadcast_in_dim3A_438 = vector.shape_cast %reduce_max3A_437 : vector<480xf32> to vector<480x1xf32>
    %sub3A_439 = vector.broadcast %broadcast_in_dim3A_438 : vector<480x1xf32> to vector<480x64xf32>
    %sub3A_440 = arith.subf %dot_general3A_435, %sub3A_439 : vector<480x64xf32>
    %exp3A_441 = math.exp %sub3A_440 : vector<480x64xf32>
    %reduce_sum3A_442 = arith.constant dense<0.000000e+00> : vector<480xf32>
    %reduce_sum3A_443 = vector.multi_reduction <add>, %exp3A_441, %reduce_sum3A_442 [1] : vector<480x64xf32> to vector<480xf32>
    %broadcast_in_dim3A_444 = vector.shape_cast %reduce_sum3A_443 : vector<480xf32> to vector<480x1xf32>
    %div3A_445 = arith.constant 1.000000e+00 : f32
    %div3A_446 = vector.broadcast %div3A_445 : f32 to vector<480x1xf32>
    %div3A_447 = arith.divf %div3A_446, %broadcast_in_dim3A_444 : vector<480x1xf32>
    %mul3A_448 = vector.broadcast %div3A_447 : vector<480x1xf32> to vector<480x64xf32>
    %mul3A_449 = arith.mulf %exp3A_441, %mul3A_448 : vector<480x64xf32>
    %swap3A_450 = arith.constant 1440 : index
    %swap3A_451 = arith.constant 0 : index
    %swap3A_452 = vector.load %arg8[%swap3A_450, %swap3A_451] : memref<3840x64xf32, #tpu.memory_space<vmem>>, vector<480x64xf32>
    tpu.vector_store %arg8[%swap3A_450, %swap3A_451], %mul3A_449 {strides = array<i32>} : memref<3840x64xf32, #tpu.memory_space<vmem>>, vector<480x64xf32>,
    %eq3A_453 = vector.broadcast %div3A_447 : vector<480x1xf32> to vector<480x64xf32>
    %eq3A_454 = arith.cmpf oeq, %mul3A_449, %eq3A_453 : vector<480x64xf32>
    %jit3A_455 = arith.constant 64 : i32
    %broadcast_in_dim3A_456 = vector.broadcast %jit3A_455 : i32 to vector<480x64xi32>
    %select_n3A_457 = arith.select %eq3A_454, %iota3A_0, %broadcast_in_dim3A_456 : vector<480x64xi1>, vector<480x64xi32>
    %reduce_min3A_458 = arith.constant dense<2147483647> : vector<480xi32>
    %reduce_min3A_459 = vector.multi_reduction <minsi>, %select_n3A_457, %reduce_min3A_458 [1] : vector<480x64xi32> to vector<480xi32>
    %broadcast_in_dim3A_460 = vector.shape_cast %reduce_min3A_459 : vector<480xi32> to vector<480x1xi32>
    %eq3A_461 = vector.broadcast %broadcast_in_dim3A_460 : vector<480x1xi32> to vector<480x64xi32>
    %eq3A_462 = arith.cmpi eq, %iota3A_0, %eq3A_461 : vector<480x64xi32>
    %convert_element_type3A_463 = arith.extui %eq3A_462 : vector<480x64xi1> to vector<480x64xi32>
    %convert_element_type3A_464 = arith.sitofp %convert_element_type3A_463 : vector<480x64xi32> to vector<480x64xf32>
    %concatenate3A_465 = tpu.concatenate %get3A_413, %get3A_416 in 1 : vector<32x64xf32>, vector<32x64xf32> -> vector<32x128xf32>
    %dot_general3A_466 = arith.constant dense<0.000000e+00> : vector<480x128xf32>
    %dot_general3A_467 = tpu.matmul %slice3A, %concatenate3A_465, %dot_general3A_466 {dimension_numbers = #tpu.dot_dimension_numbers<[1], [0], [0], [1], [0, 0, 1, 1], [], []>, transpose_lhs_hint = false} : vector<480x32xf32>, vector<32x128xf32>, vector<480x128xf32> -> vector<480x128xf32>
    %dot_general3A_468 = arith.constant dense<0.000000e+00> : vector<480x64xf32>
    %dot_general3A_469 = tpu.matmul %slice3A, %get3A_419, %dot_general3A_468 {dimension_numbers = #tpu.dot_dimension_numbers<[1], [0], [0], [1], [0, 0, 1, 1], [], []>, transpose_lhs_hint = false} : vector<480x32xf32>, vector<32x64xf32>, vector<480x64xf32> -> vector<480x64xf32>
    %slice3A_470 = vector.extract_strided_slice %dot_general3A_467 {offsets = [0, 0], sizes = [480, 64], strides = [1, 1]} : vector<480x128xf32> to vector<480x64xf32>
    %mul3A_471 = arith.mulf %convert_element_type3A_464, %slice3A_470 : vector<480x64xf32>
    %reduce_sum3A_472 = arith.constant dense<0.000000e+00> : vector<480xf32>
    %reduce_sum3A_473 = vector.multi_reduction <add>, %mul3A_471, %reduce_sum3A_472 [1] : vector<480x64xf32> to vector<480xf32>
    %broadcast_in_dim3A_474 = vector.shape_cast %reduce_sum3A_473 : vector<480xf32> to vector<480x1xf32>
    %slice3A_475 = vector.extract_strided_slice %dot_general3A_467 {offsets = [0, 64], sizes = [480, 64], strides = [1, 1]} : vector<480x128xf32> to vector<480x64xf32>
    %mul3A_476 = arith.mulf %convert_element_type3A_464, %slice3A_475 : vector<480x64xf32>
    %reduce_sum3A_477 = arith.constant dense<0.000000e+00> : vector<480xf32>
    %reduce_sum3A_478 = vector.multi_reduction <add>, %mul3A_476, %reduce_sum3A_477 [1] : vector<480x64xf32> to vector<480xf32>
    %broadcast_in_dim3A_479 = vector.shape_cast %reduce_sum3A_478 : vector<480xf32> to vector<480x1xf32>
    %mul3A_480 = arith.mulf %convert_element_type3A_464, %dot_general3A_469 : vector<480x64xf32>
    %reduce_sum3A_481 = arith.constant dense<0.000000e+00> : vector<480xf32>
    %reduce_sum3A_482 = vector.multi_reduction <add>, %mul3A_480, %reduce_sum3A_481 [1] : vector<480x64xf32> to vector<480xf32>
    %broadcast_in_dim3A_483 = vector.shape_cast %reduce_sum3A_482 : vector<480xf32> to vector<480x1xf32>
    %slice3A_484 = vector.extract_strided_slice %get3A_392 {offsets = [0, 7], sizes = [480, 1], strides = [1, 1]} : vector<480x8xf32> to vector<480x1xf32>
    %mul3A_485 = arith.mulf %slice3A_484, %broadcast_in_dim3A_474 : vector<480x1xf32>
    %mul3A_486 = arith.mulf %slice3A_484, %broadcast_in_dim3A_479 : vector<480x1xf32>
    %mul3A_487 = arith.mulf %slice3A_484, %broadcast_in_dim3A_483 : vector<480x1xf32>
    %concatenate3A_488 = tpu.concatenate %mul3A_485, %mul3A_486, %mul3A_487 in 1 : vector<480x1xf32>, vector<480x1xf32>, vector<480x1xf32> -> vector<480x3xf32>
    %gt3A_489 = arith.constant 9.900000e-01 : f32
    %gt3A_490 = vector.broadcast %gt3A_489 : f32 to vector<480x1xf32>
    %gt3A_491 = arith.cmpf ogt, %broadcast_in_dim3A_438, %gt3A_490 : vector<480x1xf32>
    %sub3A_492 = arith.constant 1.000000e+00 : f32
    %sub3A_493 = vector.broadcast %sub3A_492 : f32 to vector<480x1xf32>
    %sub3A_494 = arith.subf %sub3A_493, %broadcast_in_dim3A_438 : vector<480x1xf32>
    %mul3A_495 = arith.constant 1.000000e+02 : f32
    %mul3A_496 = vector.broadcast %mul3A_495 : f32 to vector<480x1xf32>
    %mul3A_497 = arith.mulf %sub3A_494, %mul3A_496 : vector<480x1xf32>
    %jit3A_498 = arith.constant 0.00999999977 : f32
    %jit3A_499 = arith.constant 1.000000e+01 : f32
    %max3A_500 = vector.broadcast %jit3A_498 : f32 to vector<480x1xf32>
    %max3A_501 = arith.maximumf %max3A_500, %mul3A_497 : vector<480x1xf32>
    %min3A_502 = vector.broadcast %jit3A_499 : f32 to vector<480x1xf32>
    %min3A_503 = arith.minimumf %min3A_502, %max3A_501 : vector<480x1xf32>
    %slice3A_504 = vector.extract_strided_slice %get3A_392 {offsets = [0, 0], sizes = [480, 3], strides = [1, 1]} : vector<480x8xf32> to vector<480x3xf32>
    %broadcast_in_dim3A_505 = vector.shape_cast %gt3A_491 : vector<480x1xi1> to vector<480x1xi1>
    %broadcast_in_dim3A_506 = vector.broadcast %broadcast_in_dim3A_505 : vector<480x1xi1> to vector<480x3xi1>
    %select_n3A_507 = arith.select %broadcast_in_dim3A_506, %concatenate3A_488, %slice3A_504 : vector<480x3xi1>, vector<480x3xf32>
    %swap3A_508 = arith.constant 1440 : index
    %swap3A_509 = arith.constant 0 : index
    %swap3A_510 = vector.load %arg9[%swap3A_508, %swap3A_509] : memref<3840x3xf32, #tpu.memory_space<vmem>>, vector<480x3xf32>
    tpu.vector_store %arg9[%swap3A_508, %swap3A_509], %select_n3A_507 {strides = array<i32>} : memref<3840x3xf32, #tpu.memory_space<vmem>>, vector<480x3xf32>,
    %jit3A_511 = arith.constant 1.000000e+01 : f32
    %broadcast_in_dim3A_512 = vector.broadcast %jit3A_511 : f32 to vector<480x1xf32>
    %select_n3A_513 = arith.select %gt3A_491, %min3A_503, %broadcast_in_dim3A_512 : vector<480x1xi1>, vector<480x1xf32>
    %swap3A_514 = arith.constant 1440 : index
    %swap3A_515 = arith.constant 0 : index
    %swap3A_516 = vector.load %arg10[%swap3A_514, %swap3A_515] : memref<3840x1xf32, #tpu.memory_space<vmem>>, vector<480x1xf32>
    tpu.vector_store %arg10[%swap3A_514, %swap3A_515], %select_n3A_513 {strides = array<i32>} : memref<3840x1xf32, #tpu.memory_space<vmem>>, vector<480x1xf32>,
    %convert_element_type3A_517 = arith.sitofp %broadcast_in_dim3A_460 : vector<480x1xi32> to vector<480x1xf32>
    %jit3A_518 = arith.constant -1.000000e+00 : f32
    %broadcast_in_dim3A_519 = vector.broadcast %jit3A_518 : f32 to vector<480x1xf32>
    %select_n3A_520 = arith.select %gt3A_491, %convert_element_type3A_517, %broadcast_in_dim3A_519 : vector<480x1xi1>, vector<480x1xf32>
    %swap3A_521 = arith.constant 1440 : index
    %swap3A_522 = arith.constant 0 : index
    %swap3A_523 = vector.load %arg11[%swap3A_521, %swap3A_522] : memref<3840x1xf32, #tpu.memory_space<vmem>>, vector<480x1xf32>
    tpu.vector_store %arg11[%swap3A_521, %swap3A_522], %select_n3A_520 {strides = array<i32>} : memref<3840x1xf32, #tpu.memory_space<vmem>>, vector<480x1xf32>,
    %get3A_524 = arith.constant 1920 : index
    %get3A_525 = arith.constant 0 : index
    %get3A_526 = vector.load %arg1[%get3A_524, %get3A_525] : memref<3840x8xf32, #tpu.memory_space<vmem>>, vector<480x8xf32>
    %mul3A_527 = arith.mulf %get3A_526, %get3A_526 : vector<480x8xf32>
    %dot_general3A_528 = arith.constant dense<0.000000e+00> : vector<480x128xf32>
    %dot_general3A_529 = tpu.matmul %mul3A_527, %get3A_8, %dot_general3A_528 {dimension_numbers = #tpu.dot_dimension_numbers<[1], [0], [0], [1], [0, 0, 1, 1], [], []>, transpose_lhs_hint = false} : vector<480x8xf32>, vector<8x128xf32>, vector<480x128xf32> -> vector<480x128xf32>
    %max3A_530 = arith.constant 1.000000e-24 : f32
    %max3A_531 = vector.broadcast %max3A_530 : f32 to vector<480x128xf32>
    %max3A_532 = arith.maximumf %dot_general3A_529, %max3A_531 : vector<480x128xf32>
    %rsqrt3A_533 = math.rsqrt %max3A_532 : vector<480x128xf32>
    %slice3A_534 = vector.extract_strided_slice %rsqrt3A_533 {offsets = [0, 0], sizes = [480, 8], strides = [1, 1]} : vector<480x128xf32> to vector<480x8xf32>
    %mul3A_535 = arith.mulf %get3A_526, %slice3A_534 : vector<480x8xf32>
    %eq3A_536 = arith.constant 3 : i32
    %eq3A_537 = vector.broadcast %eq3A_536 : i32 to vector<480x8xi32>
    %eq3A_538 = arith.cmpi eq, %iota3A, %eq3A_537 : vector<480x8xi32>
    %jit3A_539 = arith.constant 1.000000e+00 : f32
    %broadcast_in_dim3A_540 = vector.broadcast %jit3A_539 : f32 to vector<480x8xf32>
    %select_n3A_541 = arith.select %eq3A_538, %broadcast_in_dim3A_540, %mul3A_535 : vector<480x8xi1>, vector<480x8xf32>
    %dot_general3A_542 = arith.constant dense<0.000000e+00> : vector<480x128xf32>
    %dot_general3A_543 = tpu.matmul %select_n3A_541, %get3A_5, %dot_general3A_542 {dimension_numbers = #tpu.dot_dimension_numbers<[1], [0], [0], [1], [0, 0, 1, 1], [], []>, transpose_lhs_hint = false} : vector<480x8xf32>, vector<8x128xf32>, vector<480x128xf32> -> vector<480x128xf32>
    %mul3A_544 = arith.mulf %dot_general3A_543, %get3A_2 : vector<480x128xf32>
    %get3A_545 = arith.constant 128 : index
    %get3A_546 = arith.constant 0 : index
    %get3A_547 = vector.load %arg2[%get3A_545, %get3A_546] : memref<256x64xf32, #tpu.memory_space<vmem>>, vector<32x64xf32>
    %get3A_548 = arith.constant 128 : index
    %get3A_549 = arith.constant 0 : index
    %get3A_550 = vector.load %arg3[%get3A_548, %get3A_549] : memref<256x64xf32, #tpu.memory_space<vmem>>, vector<32x64xf32>
    %get3A_551 = arith.constant 128 : index
    %get3A_552 = arith.constant 0 : index
    %get3A_553 = vector.load %arg4[%get3A_551, %get3A_552] : memref<256x64xf32, #tpu.memory_space<vmem>>, vector<32x64xf32>
    %mul3A_554 = arith.mulf %get3A_547, %get3A_547 : vector<32x64xf32>
    %mul3A_555 = arith.mulf %get3A_550, %get3A_550 : vector<32x64xf32>
    %add3A_556 = arith.addf %mul3A_554, %mul3A_555 : vector<32x64xf32>
    %mul3A_557 = arith.mulf %get3A_553, %get3A_553 : vector<32x64xf32>
    %add3A_558 = arith.addf %add3A_556, %mul3A_557 : vector<32x64xf32>
    %lt3A_559 = arith.constant 9.99999993E-9 : f32
    %lt3A_560 = vector.broadcast %lt3A_559 : f32 to vector<32x64xf32>
    %lt3A_561 = arith.cmpf olt, %add3A_558, %lt3A_560 : vector<32x64xf32>
    %jit3A_562 = arith.constant -1.000000e+30 : f32
    %jit3A_563 = arith.constant 0.000000e+00 : f32
    %broadcast_in_dim3A_564 = vector.broadcast %jit3A_562 : f32 to vector<32x64xf32>
    %broadcast_in_dim3A_565 = vector.broadcast %jit3A_563 : f32 to vector<32x64xf32>
    %select_n3A_566 = arith.select %lt3A_561, %broadcast_in_dim3A_564, %broadcast_in_dim3A_565 : vector<32x64xi1>, vector<32x64xf32>
    %concatenate3A_567 = tpu.concatenate %get3A_547, %get3A_550, %get3A_553, %select_n3A_566 in 0 : vector<32x64xf32>, vector<32x64xf32>, vector<32x64xf32>, vector<32x64xf32> -> vector<128x64xf32>
    %dot_general3A_568 = arith.constant dense<0.000000e+00> : vector<480x64xf32>
    %dot_general3A_569 = tpu.matmul %mul3A_544, %concatenate3A_567, %dot_general3A_568 {dimension_numbers = #tpu.dot_dimension_numbers<[1], [0], [0], [1], [0, 0, 1, 1], [], []>, transpose_lhs_hint = false} : vector<480x128xf32>, vector<128x64xf32>, vector<480x64xf32> -> vector<480x64xf32>
    %reduce_max3A_570 = arith.constant dense<0xFF800000> : vector<480xf32>
    %reduce_max3A_571 = vector.multi_reduction <maximumf>, %dot_general3A_569, %reduce_max3A_570 [1] : vector<480x64xf32> to vector<480xf32>
    %broadcast_in_dim3A_572 = vector.shape_cast %reduce_max3A_571 : vector<480xf32> to vector<480x1xf32>
    %sub3A_573 = vector.broadcast %broadcast_in_dim3A_572 : vector<480x1xf32> to vector<480x64xf32>
    %sub3A_574 = arith.subf %dot_general3A_569, %sub3A_573 : vector<480x64xf32>
    %exp3A_575 = math.exp %sub3A_574 : vector<480x64xf32>
    %reduce_sum3A_576 = arith.constant dense<0.000000e+00> : vector<480xf32>
    %reduce_sum3A_577 = vector.multi_reduction <add>, %exp3A_575, %reduce_sum3A_576 [1] : vector<480x64xf32> to vector<480xf32>
    %broadcast_in_dim3A_578 = vector.shape_cast %reduce_sum3A_577 : vector<480xf32> to vector<480x1xf32>
    %div3A_579 = arith.constant 1.000000e+00 : f32
    %div3A_580 = vector.broadcast %div3A_579 : f32 to vector<480x1xf32>
    %div3A_581 = arith.divf %div3A_580, %broadcast_in_dim3A_578 : vector<480x1xf32>
    %mul3A_582 = vector.broadcast %div3A_581 : vector<480x1xf32> to vector<480x64xf32>
    %mul3A_583 = arith.mulf %exp3A_575, %mul3A_582 : vector<480x64xf32>
    %swap3A_584 = arith.constant 1920 : index
    %swap3A_585 = arith.constant 0 : index
    %swap3A_586 = vector.load %arg8[%swap3A_584, %swap3A_585] : memref<3840x64xf32, #tpu.memory_space<vmem>>, vector<480x64xf32>
    tpu.vector_store %arg8[%swap3A_584, %swap3A_585], %mul3A_583 {strides = array<i32>} : memref<3840x64xf32, #tpu.memory_space<vmem>>, vector<480x64xf32>,
    %eq3A_587 = vector.broadcast %div3A_581 : vector<480x1xf32> to vector<480x64xf32>
    %eq3A_588 = arith.cmpf oeq, %mul3A_583, %eq3A_587 : vector<480x64xf32>
    %jit3A_589 = arith.constant 64 : i32
    %broadcast_in_dim3A_590 = vector.broadcast %jit3A_589 : i32 to vector<480x64xi32>
    %select_n3A_591 = arith.select %eq3A_588, %iota3A_0, %broadcast_in_dim3A_590 : vector<480x64xi1>, vector<480x64xi32>
    %reduce_min3A_592 = arith.constant dense<2147483647> : vector<480xi32>
    %reduce_min3A_593 = vector.multi_reduction <minsi>, %select_n3A_591, %reduce_min3A_592 [1] : vector<480x64xi32> to vector<480xi32>
    %broadcast_in_dim3A_594 = vector.shape_cast %reduce_min3A_593 : vector<480xi32> to vector<480x1xi32>
    %eq3A_595 = vector.broadcast %broadcast_in_dim3A_594 : vector<480x1xi32> to vector<480x64xi32>
    %eq3A_596 = arith.cmpi eq, %iota3A_0, %eq3A_595 : vector<480x64xi32>
    %convert_element_type3A_597 = arith.extui %eq3A_596 : vector<480x64xi1> to vector<480x64xi32>
    %convert_element_type3A_598 = arith.sitofp %convert_element_type3A_597 : vector<480x64xi32> to vector<480x64xf32>
    %concatenate3A_599 = tpu.concatenate %get3A_547, %get3A_550 in 1 : vector<32x64xf32>, vector<32x64xf32> -> vector<32x128xf32>
    %dot_general3A_600 = arith.constant dense<0.000000e+00> : vector<480x128xf32>
    %dot_general3A_601 = tpu.matmul %slice3A, %concatenate3A_599, %dot_general3A_600 {dimension_numbers = #tpu.dot_dimension_numbers<[1], [0], [0], [1], [0, 0, 1, 1], [], []>, transpose_lhs_hint = false} : vector<480x32xf32>, vector<32x128xf32>, vector<480x128xf32> -> vector<480x128xf32>
    %dot_general3A_602 = arith.constant dense<0.000000e+00> : vector<480x64xf32>
    %dot_general3A_603 = tpu.matmul %slice3A, %get3A_553, %dot_general3A_602 {dimension_numbers = #tpu.dot_dimension_numbers<[1], [0], [0], [1], [0, 0, 1, 1], [], []>, transpose_lhs_hint = false} : vector<480x32xf32>, vector<32x64xf32>, vector<480x64xf32> -> vector<480x64xf32>
    %slice3A_604 = vector.extract_strided_slice %dot_general3A_601 {offsets = [0, 0], sizes = [480, 64], strides = [1, 1]} : vector<480x128xf32> to vector<480x64xf32>
    %mul3A_605 = arith.mulf %convert_element_type3A_598, %slice3A_604 : vector<480x64xf32>
    %reduce_sum3A_606 = arith.constant dense<0.000000e+00> : vector<480xf32>
    %reduce_sum3A_607 = vector.multi_reduction <add>, %mul3A_605, %reduce_sum3A_606 [1] : vector<480x64xf32> to vector<480xf32>
    %broadcast_in_dim3A_608 = vector.shape_cast %reduce_sum3A_607 : vector<480xf32> to vector<480x1xf32>
    %slice3A_609 = vector.extract_strided_slice %dot_general3A_601 {offsets = [0, 64], sizes = [480, 64], strides = [1, 1]} : vector<480x128xf32> to vector<480x64xf32>
    %mul3A_610 = arith.mulf %convert_element_type3A_598, %slice3A_609 : vector<480x64xf32>
    %reduce_sum3A_611 = arith.constant dense<0.000000e+00> : vector<480xf32>
    %reduce_sum3A_612 = vector.multi_reduction <add>, %mul3A_610, %reduce_sum3A_611 [1] : vector<480x64xf32> to vector<480xf32>
    %broadcast_in_dim3A_613 = vector.shape_cast %reduce_sum3A_612 : vector<480xf32> to vector<480x1xf32>
    %mul3A_614 = arith.mulf %convert_element_type3A_598, %dot_general3A_603 : vector<480x64xf32>
    %reduce_sum3A_615 = arith.constant dense<0.000000e+00> : vector<480xf32>
    %reduce_sum3A_616 = vector.multi_reduction <add>, %mul3A_614, %reduce_sum3A_615 [1] : vector<480x64xf32> to vector<480xf32>
    %broadcast_in_dim3A_617 = vector.shape_cast %reduce_sum3A_616 : vector<480xf32> to vector<480x1xf32>
    %slice3A_618 = vector.extract_strided_slice %get3A_526 {offsets = [0, 7], sizes = [480, 1], strides = [1, 1]} : vector<480x8xf32> to vector<480x1xf32>
    %mul3A_619 = arith.mulf %slice3A_618, %broadcast_in_dim3A_608 : vector<480x1xf32>
    %mul3A_620 = arith.mulf %slice3A_618, %broadcast_in_dim3A_613 : vector<480x1xf32>
    %mul3A_621 = arith.mulf %slice3A_618, %broadcast_in_dim3A_617 : vector<480x1xf32>
    %concatenate3A_622 = tpu.concatenate %mul3A_619, %mul3A_620, %mul3A_621 in 1 : vector<480x1xf32>, vector<480x1xf32>, vector<480x1xf32> -> vector<480x3xf32>
    %gt3A_623 = arith.constant 9.900000e-01 : f32
    %gt3A_624 = vector.broadcast %gt3A_623 : f32 to vector<480x1xf32>
    %gt3A_625 = arith.cmpf ogt, %broadcast_in_dim3A_572, %gt3A_624 : vector<480x1xf32>
    %sub3A_626 = arith.constant 1.000000e+00 : f32
    %sub3A_627 = vector.broadcast %sub3A_626 : f32 to vector<480x1xf32>
    %sub3A_628 = arith.subf %sub3A_627, %broadcast_in_dim3A_572 : vector<480x1xf32>
    %mul3A_629 = arith.constant 1.000000e+02 : f32
    %mul3A_630 = vector.broadcast %mul3A_629 : f32 to vector<480x1xf32>
    %mul3A_631 = arith.mulf %sub3A_628, %mul3A_630 : vector<480x1xf32>
    %jit3A_632 = arith.constant 0.00999999977 : f32
    %jit3A_633 = arith.constant 1.000000e+01 : f32
    %max3A_634 = vector.broadcast %jit3A_632 : f32 to vector<480x1xf32>
    %max3A_635 = arith.maximumf %max3A_634, %mul3A_631 : vector<480x1xf32>
    %min3A_636 = vector.broadcast %jit3A_633 : f32 to vector<480x1xf32>
    %min3A_637 = arith.minimumf %min3A_636, %max3A_635 : vector<480x1xf32>
    %slice3A_638 = vector.extract_strided_slice %get3A_526 {offsets = [0, 0], sizes = [480, 3], strides = [1, 1]} : vector<480x8xf32> to vector<480x3xf32>
    %broadcast_in_dim3A_639 = vector.shape_cast %gt3A_625 : vector<480x1xi1> to vector<480x1xi1>
    %broadcast_in_dim3A_640 = vector.broadcast %broadcast_in_dim3A_639 : vector<480x1xi1> to vector<480x3xi1>
    %select_n3A_641 = arith.select %broadcast_in_dim3A_640, %concatenate3A_622, %slice3A_638 : vector<480x3xi1>, vector<480x3xf32>
    %swap3A_642 = arith.constant 1920 : index
    %swap3A_643 = arith.constant 0 : index
    %swap3A_644 = vector.load %arg9[%swap3A_642, %swap3A_643] : memref<3840x3xf32, #tpu.memory_space<vmem>>, vector<480x3xf32>
    tpu.vector_store %arg9[%swap3A_642, %swap3A_643], %select_n3A_641 {strides = array<i32>} : memref<3840x3xf32, #tpu.memory_space<vmem>>, vector<480x3xf32>,
    %jit3A_645 = arith.constant 1.000000e+01 : f32
    %broadcast_in_dim3A_646 = vector.broadcast %jit3A_645 : f32 to vector<480x1xf32>
    %select_n3A_647 = arith.select %gt3A_625, %min3A_637, %broadcast_in_dim3A_646 : vector<480x1xi1>, vector<480x1xf32>
    %swap3A_648 = arith.constant 1920 : index
    %swap3A_649 = arith.constant 0 : index
    %swap3A_650 = vector.load %arg10[%swap3A_648, %swap3A_649] : memref<3840x1xf32, #tpu.memory_space<vmem>>, vector<480x1xf32>
    tpu.vector_store %arg10[%swap3A_648, %swap3A_649], %select_n3A_647 {strides = array<i32>} : memref<3840x1xf32, #tpu.memory_space<vmem>>, vector<480x1xf32>,
    %convert_element_type3A_651 = arith.sitofp %broadcast_in_dim3A_594 : vector<480x1xi32> to vector<480x1xf32>
    %jit3A_652 = arith.constant -1.000000e+00 : f32
    %broadcast_in_dim3A_653 = vector.broadcast %jit3A_652 : f32 to vector<480x1xf32>
    %select_n3A_654 = arith.select %gt3A_625, %convert_element_type3A_651, %broadcast_in_dim3A_653 : vector<480x1xi1>, vector<480x1xf32>
    %swap3A_655 = arith.constant 1920 : index
    %swap3A_656 = arith.constant 0 : index
    %swap3A_657 = vector.load %arg11[%swap3A_655, %swap3A_656] : memref<3840x1xf32, #tpu.memory_space<vmem>>, vector<480x1xf32>
    tpu.vector_store %arg11[%swap3A_655, %swap3A_656], %select_n3A_654 {strides = array<i32>} : memref<3840x1xf32, #tpu.memory_space<vmem>>, vector<480x1xf32>,
    %get3A_658 = arith.constant 2400 : index
    %get3A_659 = arith.constant 0 : index
    %get3A_660 = vector.load %arg1[%get3A_658, %get3A_659] : memref<3840x8xf32, #tpu.memory_space<vmem>>, vector<480x8xf32>
    %mul3A_661 = arith.mulf %get3A_660, %get3A_660 : vector<480x8xf32>
    %dot_general3A_662 = arith.constant dense<0.000000e+00> : vector<480x128xf32>
    %dot_general3A_663 = tpu.matmul %mul3A_661, %get3A_8, %dot_general3A_662 {dimension_numbers = #tpu.dot_dimension_numbers<[1], [0], [0], [1], [0, 0, 1, 1], [], []>, transpose_lhs_hint = false} : vector<480x8xf32>, vector<8x128xf32>, vector<480x128xf32> -> vector<480x128xf32>
    %max3A_664 = arith.constant 1.000000e-24 : f32
    %max3A_665 = vector.broadcast %max3A_664 : f32 to vector<480x128xf32>
    %max3A_666 = arith.maximumf %dot_general3A_663, %max3A_665 : vector<480x128xf32>
    %rsqrt3A_667 = math.rsqrt %max3A_666 : vector<480x128xf32>
    %slice3A_668 = vector.extract_strided_slice %rsqrt3A_667 {offsets = [0, 0], sizes = [480, 8], strides = [1, 1]} : vector<480x128xf32> to vector<480x8xf32>
    %mul3A_669 = arith.mulf %get3A_660, %slice3A_668 : vector<480x8xf32>
    %eq3A_670 = arith.constant 3 : i32
    %eq3A_671 = vector.broadcast %eq3A_670 : i32 to vector<480x8xi32>
    %eq3A_672 = arith.cmpi eq, %iota3A, %eq3A_671 : vector<480x8xi32>
    %jit3A_673 = arith.constant 1.000000e+00 : f32
    %broadcast_in_dim3A_674 = vector.broadcast %jit3A_673 : f32 to vector<480x8xf32>
    %select_n3A_675 = arith.select %eq3A_672, %broadcast_in_dim3A_674, %mul3A_669 : vector<480x8xi1>, vector<480x8xf32>
    %dot_general3A_676 = arith.constant dense<0.000000e+00> : vector<480x128xf32>
    %dot_general3A_677 = tpu.matmul %select_n3A_675, %get3A_5, %dot_general3A_676 {dimension_numbers = #tpu.dot_dimension_numbers<[1], [0], [0], [1], [0, 0, 1, 1], [], []>, transpose_lhs_hint = false} : vector<480x8xf32>, vector<8x128xf32>, vector<480x128xf32> -> vector<480x128xf32>
    %mul3A_678 = arith.mulf %dot_general3A_677, %get3A_2 : vector<480x128xf32>
    %get3A_679 = arith.constant 160 : index
    %get3A_680 = arith.constant 0 : index
    %get3A_681 = vector.load %arg2[%get3A_679, %get3A_680] : memref<256x64xf32, #tpu.memory_space<vmem>>, vector<32x64xf32>
    %get3A_682 = arith.constant 160 : index
    %get3A_683 = arith.constant 0 : index
    %get3A_684 = vector.load %arg3[%get3A_682, %get3A_683] : memref<256x64xf32, #tpu.memory_space<vmem>>, vector<32x64xf32>
    %get3A_685 = arith.constant 160 : index
    %get3A_686 = arith.constant 0 : index
    %get3A_687 = vector.load %arg4[%get3A_685, %get3A_686] : memref<256x64xf32, #tpu.memory_space<vmem>>, vector<32x64xf32>
    %mul3A_688 = arith.mulf %get3A_681, %get3A_681 : vector<32x64xf32>
    %mul3A_689 = arith.mulf %get3A_684, %get3A_684 : vector<32x64xf32>
    %add3A_690 = arith.addf %mul3A_688, %mul3A_689 : vector<32x64xf32>
    %mul3A_691 = arith.mulf %get3A_687, %get3A_687 : vector<32x64xf32>
    %add3A_692 = arith.addf %add3A_690, %mul3A_691 : vector<32x64xf32>
    %lt3A_693 = arith.constant 9.99999993E-9 : f32
    %lt3A_694 = vector.broadcast %lt3A_693 : f32 to vector<32x64xf32>
    %lt3A_695 = arith.cmpf olt, %add3A_692, %lt3A_694 : vector<32x64xf32>
    %jit3A_696 = arith.constant -1.000000e+30 : f32
    %jit3A_697 = arith.constant 0.000000e+00 : f32
    %broadcast_in_dim3A_698 = vector.broadcast %jit3A_696 : f32 to vector<32x64xf32>
    %broadcast_in_dim3A_699 = vector.broadcast %jit3A_697 : f32 to vector<32x64xf32>
    %select_n3A_700 = arith.select %lt3A_695, %broadcast_in_dim3A_698, %broadcast_in_dim3A_699 : vector<32x64xi1>, vector<32x64xf32>
    %concatenate3A_701 = tpu.concatenate %get3A_681, %get3A_684, %get3A_687, %select_n3A_700 in 0 : vector<32x64xf32>, vector<32x64xf32>, vector<32x64xf32>, vector<32x64xf32> -> vector<128x64xf32>
    %dot_general3A_702 = arith.constant dense<0.000000e+00> : vector<480x64xf32>
    %dot_general3A_703 = tpu.matmul %mul3A_678, %concatenate3A_701, %dot_general3A_702 {dimension_numbers = #tpu.dot_dimension_numbers<[1], [0], [0], [1], [0, 0, 1, 1], [], []>, transpose_lhs_hint = false} : vector<480x128xf32>, vector<128x64xf32>, vector<480x64xf32> -> vector<480x64xf32>
    %reduce_max3A_704 = arith.constant dense<0xFF800000> : vector<480xf32>
    %reduce_max3A_705 = vector.multi_reduction <maximumf>, %dot_general3A_703, %reduce_max3A_704 [1] : vector<480x64xf32> to vector<480xf32>
    %broadcast_in_dim3A_706 = vector.shape_cast %reduce_max3A_705 : vector<480xf32> to vector<480x1xf32>
    %sub3A_707 = vector.broadcast %broadcast_in_dim3A_706 : vector<480x1xf32> to vector<480x64xf32>
    %sub3A_708 = arith.subf %dot_general3A_703, %sub3A_707 : vector<480x64xf32>
    %exp3A_709 = math.exp %sub3A_708 : vector<480x64xf32>
    %reduce_sum3A_710 = arith.constant dense<0.000000e+00> : vector<480xf32>
    %reduce_sum3A_711 = vector.multi_reduction <add>, %exp3A_709, %reduce_sum3A_710 [1] : vector<480x64xf32> to vector<480xf32>
    %broadcast_in_dim3A_712 = vector.shape_cast %reduce_sum3A_711 : vector<480xf32> to vector<480x1xf32>
    %div3A_713 = arith.constant 1.000000e+00 : f32
    %div3A_714 = vector.broadcast %div3A_713 : f32 to vector<480x1xf32>
    %div3A_715 = arith.divf %div3A_714, %broadcast_in_dim3A_712 : vector<480x1xf32>
    %mul3A_716 = vector.broadcast %div3A_715 : vector<480x1xf32> to vector<480x64xf32>
    %mul3A_717 = arith.mulf %exp3A_709, %mul3A_716 : vector<480x64xf32>
    %swap3A_718 = arith.constant 2400 : index
    %swap3A_719 = arith.constant 0 : index
    %swap3A_720 = vector.load %arg8[%swap3A_718, %swap3A_719] : memref<3840x64xf32, #tpu.memory_space<vmem>>, vector<480x64xf32>
    tpu.vector_store %arg8[%swap3A_718, %swap3A_719], %mul3A_717 {strides = array<i32>} : memref<3840x64xf32, #tpu.memory_space<vmem>>, vector<480x64xf32>,
    %eq3A_721 = vector.broadcast %div3A_715 : vector<480x1xf32> to vector<480x64xf32>
    %eq3A_722 = arith.cmpf oeq, %mul3A_717, %eq3A_721 : vector<480x64xf32>
    %jit3A_723 = arith.constant 64 : i32
    %broadcast_in_dim3A_724 = vector.broadcast %jit3A_723 : i32 to vector<480x64xi32>
    %select_n3A_725 = arith.select %eq3A_722, %iota3A_0, %broadcast_in_dim3A_724 : vector<480x64xi1>, vector<480x64xi32>
    %reduce_min3A_726 = arith.constant dense<2147483647> : vector<480xi32>
    %reduce_min3A_727 = vector.multi_reduction <minsi>, %select_n3A_725, %reduce_min3A_726 [1] : vector<480x64xi32> to vector<480xi32>
    %broadcast_in_dim3A_728 = vector.shape_cast %reduce_min3A_727 : vector<480xi32> to vector<480x1xi32>
    %eq3A_729 = vector.broadcast %broadcast_in_dim3A_728 : vector<480x1xi32> to vector<480x64xi32>
    %eq3A_730 = arith.cmpi eq, %iota3A_0, %eq3A_729 : vector<480x64xi32>
    %convert_element_type3A_731 = arith.extui %eq3A_730 : vector<480x64xi1> to vector<480x64xi32>
    %convert_element_type3A_732 = arith.sitofp %convert_element_type3A_731 : vector<480x64xi32> to vector<480x64xf32>
    %concatenate3A_733 = tpu.concatenate %get3A_681, %get3A_684 in 1 : vector<32x64xf32>, vector<32x64xf32> -> vector<32x128xf32>
    %dot_general3A_734 = arith.constant dense<0.000000e+00> : vector<480x128xf32>
    %dot_general3A_735 = tpu.matmul %slice3A, %concatenate3A_733, %dot_general3A_734 {dimension_numbers = #tpu.dot_dimension_numbers<[1], [0], [0], [1], [0, 0, 1, 1], [], []>, transpose_lhs_hint = false} : vector<480x32xf32>, vector<32x128xf32>, vector<480x128xf32> -> vector<480x128xf32>
    %dot_general3A_736 = arith.constant dense<0.000000e+00> : vector<480x64xf32>
    %dot_general3A_737 = tpu.matmul %slice3A, %get3A_687, %dot_general3A_736 {dimension_numbers = #tpu.dot_dimension_numbers<[1], [0], [0], [1], [0, 0, 1, 1], [], []>, transpose_lhs_hint = false} : vector<480x32xf32>, vector<32x64xf32>, vector<480x64xf32> -> vector<480x64xf32>
    %slice3A_738 = vector.extract_strided_slice %dot_general3A_735 {offsets = [0, 0], sizes = [480, 64], strides = [1, 1]} : vector<480x128xf32> to vector<480x64xf32>
    %mul3A_739 = arith.mulf %convert_element_type3A_732, %slice3A_738 : vector<480x64xf32>
    %reduce_sum3A_740 = arith.constant dense<0.000000e+00> : vector<480xf32>
    %reduce_sum3A_741 = vector.multi_reduction <add>, %mul3A_739, %reduce_sum3A_740 [1] : vector<480x64xf32> to vector<480xf32>
    %broadcast_in_dim3A_742 = vector.shape_cast %reduce_sum3A_741 : vector<480xf32> to vector<480x1xf32>
    %slice3A_743 = vector.extract_strided_slice %dot_general3A_735 {offsets = [0, 64], sizes = [480, 64], strides = [1, 1]} : vector<480x128xf32> to vector<480x64xf32>
    %mul3A_744 = arith.mulf %convert_element_type3A_732, %slice3A_743 : vector<480x64xf32>
    %reduce_sum3A_745 = arith.constant dense<0.000000e+00> : vector<480xf32>
    %reduce_sum3A_746 = vector.multi_reduction <add>, %mul3A_744, %reduce_sum3A_745 [1] : vector<480x64xf32> to vector<480xf32>
    %broadcast_in_dim3A_747 = vector.shape_cast %reduce_sum3A_746 : vector<480xf32> to vector<480x1xf32>
    %mul3A_748 = arith.mulf %convert_element_type3A_732, %dot_general3A_737 : vector<480x64xf32>
    %reduce_sum3A_749 = arith.constant dense<0.000000e+00> : vector<480xf32>
    %reduce_sum3A_750 = vector.multi_reduction <add>, %mul3A_748, %reduce_sum3A_749 [1] : vector<480x64xf32> to vector<480xf32>
    %broadcast_in_dim3A_751 = vector.shape_cast %reduce_sum3A_750 : vector<480xf32> to vector<480x1xf32>
    %slice3A_752 = vector.extract_strided_slice %get3A_660 {offsets = [0, 7], sizes = [480, 1], strides = [1, 1]} : vector<480x8xf32> to vector<480x1xf32>
    %mul3A_753 = arith.mulf %slice3A_752, %broadcast_in_dim3A_742 : vector<480x1xf32>
    %mul3A_754 = arith.mulf %slice3A_752, %broadcast_in_dim3A_747 : vector<480x1xf32>
    %mul3A_755 = arith.mulf %slice3A_752, %broadcast_in_dim3A_751 : vector<480x1xf32>
    %concatenate3A_756 = tpu.concatenate %mul3A_753, %mul3A_754, %mul3A_755 in 1 : vector<480x1xf32>, vector<480x1xf32>, vector<480x1xf32> -> vector<480x3xf32>
    %gt3A_757 = arith.constant 9.900000e-01 : f32
    %gt3A_758 = vector.broadcast %gt3A_757 : f32 to vector<480x1xf32>
    %gt3A_759 = arith.cmpf ogt, %broadcast_in_dim3A_706, %gt3A_758 : vector<480x1xf32>
    %sub3A_760 = arith.constant 1.000000e+00 : f32
    %sub3A_761 = vector.broadcast %sub3A_760 : f32 to vector<480x1xf32>
    %sub3A_762 = arith.subf %sub3A_761, %broadcast_in_dim3A_706 : vector<480x1xf32>
    %mul3A_763 = arith.constant 1.000000e+02 : f32
    %mul3A_764 = vector.broadcast %mul3A_763 : f32 to vector<480x1xf32>
    %mul3A_765 = arith.mulf %sub3A_762, %mul3A_764 : vector<480x1xf32>
    %jit3A_766 = arith.constant 0.00999999977 : f32
    %jit3A_767 = arith.constant 1.000000e+01 : f32
    %max3A_768 = vector.broadcast %jit3A_766 : f32 to vector<480x1xf32>
    %max3A_769 = arith.maximumf %max3A_768, %mul3A_765 : vector<480x1xf32>
    %min3A_770 = vector.broadcast %jit3A_767 : f32 to vector<480x1xf32>
    %min3A_771 = arith.minimumf %min3A_770, %max3A_769 : vector<480x1xf32>
    %slice3A_772 = vector.extract_strided_slice %get3A_660 {offsets = [0, 0], sizes = [480, 3], strides = [1, 1]} : vector<480x8xf32> to vector<480x3xf32>
    %broadcast_in_dim3A_773 = vector.shape_cast %gt3A_759 : vector<480x1xi1> to vector<480x1xi1>
    %broadcast_in_dim3A_774 = vector.broadcast %broadcast_in_dim3A_773 : vector<480x1xi1> to vector<480x3xi1>
    %select_n3A_775 = arith.select %broadcast_in_dim3A_774, %concatenate3A_756, %slice3A_772 : vector<480x3xi1>, vector<480x3xf32>
    %swap3A_776 = arith.constant 2400 : index
    %swap3A_777 = arith.constant 0 : index
    %swap3A_778 = vector.load %arg9[%swap3A_776, %swap3A_777] : memref<3840x3xf32, #tpu.memory_space<vmem>>, vector<480x3xf32>
    tpu.vector_store %arg9[%swap3A_776, %swap3A_777], %select_n3A_775 {strides = array<i32>} : memref<3840x3xf32, #tpu.memory_space<vmem>>, vector<480x3xf32>,
    %jit3A_779 = arith.constant 1.000000e+01 : f32
    %broadcast_in_dim3A_780 = vector.broadcast %jit3A_779 : f32 to vector<480x1xf32>
    %select_n3A_781 = arith.select %gt3A_759, %min3A_771, %broadcast_in_dim3A_780 : vector<480x1xi1>, vector<480x1xf32>
    %swap3A_782 = arith.constant 2400 : index
    %swap3A_783 = arith.constant 0 : index
    %swap3A_784 = vector.load %arg10[%swap3A_782, %swap3A_783] : memref<3840x1xf32, #tpu.memory_space<vmem>>, vector<480x1xf32>
    tpu.vector_store %arg10[%swap3A_782, %swap3A_783], %select_n3A_781 {strides = array<i32>} : memref<3840x1xf32, #tpu.memory_space<vmem>>, vector<480x1xf32>,
    %convert_element_type3A_785 = arith.sitofp %broadcast_in_dim3A_728 : vector<480x1xi32> to vector<480x1xf32>
    %jit3A_786 = arith.constant -1.000000e+00 : f32
    %broadcast_in_dim3A_787 = vector.broadcast %jit3A_786 : f32 to vector<480x1xf32>
    %select_n3A_788 = arith.select %gt3A_759, %convert_element_type3A_785, %broadcast_in_dim3A_787 : vector<480x1xi1>, vector<480x1xf32>
    %swap3A_789 = arith.constant 2400 : index
    %swap3A_790 = arith.constant 0 : index
    %swap3A_791 = vector.load %arg11[%swap3A_789, %swap3A_790] : memref<3840x1xf32, #tpu.memory_space<vmem>>, vector<480x1xf32>
    tpu.vector_store %arg11[%swap3A_789, %swap3A_790], %select_n3A_788 {strides = array<i32>} : memref<3840x1xf32, #tpu.memory_space<vmem>>, vector<480x1xf32>,
    %get3A_792 = arith.constant 2880 : index
    %get3A_793 = arith.constant 0 : index
    %get3A_794 = vector.load %arg1[%get3A_792, %get3A_793] : memref<3840x8xf32, #tpu.memory_space<vmem>>, vector<480x8xf32>
    %mul3A_795 = arith.mulf %get3A_794, %get3A_794 : vector<480x8xf32>
    %dot_general3A_796 = arith.constant dense<0.000000e+00> : vector<480x128xf32>
    %dot_general3A_797 = tpu.matmul %mul3A_795, %get3A_8, %dot_general3A_796 {dimension_numbers = #tpu.dot_dimension_numbers<[1], [0], [0], [1], [0, 0, 1, 1], [], []>, transpose_lhs_hint = false} : vector<480x8xf32>, vector<8x128xf32>, vector<480x128xf32> -> vector<480x128xf32>
    %max3A_798 = arith.constant 1.000000e-24 : f32
    %max3A_799 = vector.broadcast %max3A_798 : f32 to vector<480x128xf32>
    %max3A_800 = arith.maximumf %dot_general3A_797, %max3A_799 : vector<480x128xf32>
    %rsqrt3A_801 = math.rsqrt %max3A_800 : vector<480x128xf32>
    %slice3A_802 = vector.extract_strided_slice %rsqrt3A_801 {offsets = [0, 0], sizes = [480, 8], strides = [1, 1]} : vector<480x128xf32> to vector<480x8xf32>
    %mul3A_803 = arith.mulf %get3A_794, %slice3A_802 : vector<480x8xf32>
    %eq3A_804 = arith.constant 3 : i32
    %eq3A_805 = vector.broadcast %eq3A_804 : i32 to vector<480x8xi32>
    %eq3A_806 = arith.cmpi eq, %iota3A, %eq3A_805 : vector<480x8xi32>
    %jit3A_807 = arith.constant 1.000000e+00 : f32
    %broadcast_in_dim3A_808 = vector.broadcast %jit3A_807 : f32 to vector<480x8xf32>
    %select_n3A_809 = arith.select %eq3A_806, %broadcast_in_dim3A_808, %mul3A_803 : vector<480x8xi1>, vector<480x8xf32>
    %dot_general3A_810 = arith.constant dense<0.000000e+00> : vector<480x128xf32>
    %dot_general3A_811 = tpu.matmul %select_n3A_809, %get3A_5, %dot_general3A_810 {dimension_numbers = #tpu.dot_dimension_numbers<[1], [0], [0], [1], [0, 0, 1, 1], [], []>, transpose_lhs_hint = false} : vector<480x8xf32>, vector<8x128xf32>, vector<480x128xf32> -> vector<480x128xf32>
    %mul3A_812 = arith.mulf %dot_general3A_811, %get3A_2 : vector<480x128xf32>
    %get3A_813 = arith.constant 192 : index
    %get3A_814 = arith.constant 0 : index
    %get3A_815 = vector.load %arg2[%get3A_813, %get3A_814] : memref<256x64xf32, #tpu.memory_space<vmem>>, vector<32x64xf32>
    %get3A_816 = arith.constant 192 : index
    %get3A_817 = arith.constant 0 : index
    %get3A_818 = vector.load %arg3[%get3A_816, %get3A_817] : memref<256x64xf32, #tpu.memory_space<vmem>>, vector<32x64xf32>
    %get3A_819 = arith.constant 192 : index
    %get3A_820 = arith.constant 0 : index
    %get3A_821 = vector.load %arg4[%get3A_819, %get3A_820] : memref<256x64xf32, #tpu.memory_space<vmem>>, vector<32x64xf32>
    %mul3A_822 = arith.mulf %get3A_815, %get3A_815 : vector<32x64xf32>
    %mul3A_823 = arith.mulf %get3A_818, %get3A_818 : vector<32x64xf32>
    %add3A_824 = arith.addf %mul3A_822, %mul3A_823 : vector<32x64xf32>
    %mul3A_825 = arith.mulf %get3A_821, %get3A_821 : vector<32x64xf32>
    %add3A_826 = arith.addf %add3A_824, %mul3A_825 : vector<32x64xf32>
    %lt3A_827 = arith.constant 9.99999993E-9 : f32
    %lt3A_828 = vector.broadcast %lt3A_827 : f32 to vector<32x64xf32>
    %lt3A_829 = arith.cmpf olt, %add3A_826, %lt3A_828 : vector<32x64xf32>
    %jit3A_830 = arith.constant -1.000000e+30 : f32
    %jit3A_831 = arith.constant 0.000000e+00 : f32
    %broadcast_in_dim3A_832 = vector.broadcast %jit3A_830 : f32 to vector<32x64xf32>
    %broadcast_in_dim3A_833 = vector.broadcast %jit3A_831 : f32 to vector<32x64xf32>
    %select_n3A_834 = arith.select %lt3A_829, %broadcast_in_dim3A_832, %broadcast_in_dim3A_833 : vector<32x64xi1>, vector<32x64xf32>
    %concatenate3A_835 = tpu.concatenate %get3A_815, %get3A_818, %get3A_821, %select_n3A_834 in 0 : vector<32x64xf32>, vector<32x64xf32>, vector<32x64xf32>, vector<32x64xf32> -> vector<128x64xf32>
    %dot_general3A_836 = arith.constant dense<0.000000e+00> : vector<480x64xf32>
    %dot_general3A_837 = tpu.matmul %mul3A_812, %concatenate3A_835, %dot_general3A_836 {dimension_numbers = #tpu.dot_dimension_numbers<[1], [0], [0], [1], [0, 0, 1, 1], [], []>, transpose_lhs_hint = false} : vector<480x128xf32>, vector<128x64xf32>, vector<480x64xf32> -> vector<480x64xf32>
    %reduce_max3A_838 = arith.constant dense<0xFF800000> : vector<480xf32>
    %reduce_max3A_839 = vector.multi_reduction <maximumf>, %dot_general3A_837, %reduce_max3A_838 [1] : vector<480x64xf32> to vector<480xf32>
    %broadcast_in_dim3A_840 = vector.shape_cast %reduce_max3A_839 : vector<480xf32> to vector<480x1xf32>
    %sub3A_841 = vector.broadcast %broadcast_in_dim3A_840 : vector<480x1xf32> to vector<480x64xf32>
    %sub3A_842 = arith.subf %dot_general3A_837, %sub3A_841 : vector<480x64xf32>
    %exp3A_843 = math.exp %sub3A_842 : vector<480x64xf32>
    %reduce_sum3A_844 = arith.constant dense<0.000000e+00> : vector<480xf32>
    %reduce_sum3A_845 = vector.multi_reduction <add>, %exp3A_843, %reduce_sum3A_844 [1] : vector<480x64xf32> to vector<480xf32>
    %broadcast_in_dim3A_846 = vector.shape_cast %reduce_sum3A_845 : vector<480xf32> to vector<480x1xf32>
    %div3A_847 = arith.constant 1.000000e+00 : f32
    %div3A_848 = vector.broadcast %div3A_847 : f32 to vector<480x1xf32>
    %div3A_849 = arith.divf %div3A_848, %broadcast_in_dim3A_846 : vector<480x1xf32>
    %mul3A_850 = vector.broadcast %div3A_849 : vector<480x1xf32> to vector<480x64xf32>
    %mul3A_851 = arith.mulf %exp3A_843, %mul3A_850 : vector<480x64xf32>
    %swap3A_852 = arith.constant 2880 : index
    %swap3A_853 = arith.constant 0 : index
    %swap3A_854 = vector.load %arg8[%swap3A_852, %swap3A_853] : memref<3840x64xf32, #tpu.memory_space<vmem>>, vector<480x64xf32>
    tpu.vector_store %arg8[%swap3A_852, %swap3A_853], %mul3A_851 {strides = array<i32>} : memref<3840x64xf32, #tpu.memory_space<vmem>>, vector<480x64xf32>,
    %eq3A_855 = vector.broadcast %div3A_849 : vector<480x1xf32> to vector<480x64xf32>
    %eq3A_856 = arith.cmpf oeq, %mul3A_851, %eq3A_855 : vector<480x64xf32>
    %jit3A_857 = arith.constant 64 : i32
    %broadcast_in_dim3A_858 = vector.broadcast %jit3A_857 : i32 to vector<480x64xi32>
    %select_n3A_859 = arith.select %eq3A_856, %iota3A_0, %broadcast_in_dim3A_858 : vector<480x64xi1>, vector<480x64xi32>
    %reduce_min3A_860 = arith.constant dense<2147483647> : vector<480xi32>
    %reduce_min3A_861 = vector.multi_reduction <minsi>, %select_n3A_859, %reduce_min3A_860 [1] : vector<480x64xi32> to vector<480xi32>
    %broadcast_in_dim3A_862 = vector.shape_cast %reduce_min3A_861 : vector<480xi32> to vector<480x1xi32>
    %eq3A_863 = vector.broadcast %broadcast_in_dim3A_862 : vector<480x1xi32> to vector<480x64xi32>
    %eq3A_864 = arith.cmpi eq, %iota3A_0, %eq3A_863 : vector<480x64xi32>
    %convert_element_type3A_865 = arith.extui %eq3A_864 : vector<480x64xi1> to vector<480x64xi32>
    %convert_element_type3A_866 = arith.sitofp %convert_element_type3A_865 : vector<480x64xi32> to vector<480x64xf32>
    %concatenate3A_867 = tpu.concatenate %get3A_815, %get3A_818 in 1 : vector<32x64xf32>, vector<32x64xf32> -> vector<32x128xf32>
    %dot_general3A_868 = arith.constant dense<0.000000e+00> : vector<480x128xf32>
    %dot_general3A_869 = tpu.matmul %slice3A, %concatenate3A_867, %dot_general3A_868 {dimension_numbers = #tpu.dot_dimension_numbers<[1], [0], [0], [1], [0, 0, 1, 1], [], []>, transpose_lhs_hint = false} : vector<480x32xf32>, vector<32x128xf32>, vector<480x128xf32> -> vector<480x128xf32>
    %dot_general3A_870 = arith.constant dense<0.000000e+00> : vector<480x64xf32>
    %dot_general3A_871 = tpu.matmul %slice3A, %get3A_821, %dot_general3A_870 {dimension_numbers = #tpu.dot_dimension_numbers<[1], [0], [0], [1], [0, 0, 1, 1], [], []>, transpose_lhs_hint = false} : vector<480x32xf32>, vector<32x64xf32>, vector<480x64xf32> -> vector<480x64xf32>
    %slice3A_872 = vector.extract_strided_slice %dot_general3A_869 {offsets = [0, 0], sizes = [480, 64], strides = [1, 1]} : vector<480x128xf32> to vector<480x64xf32>
    %mul3A_873 = arith.mulf %convert_element_type3A_866, %slice3A_872 : vector<480x64xf32>
    %reduce_sum3A_874 = arith.constant dense<0.000000e+00> : vector<480xf32>
    %reduce_sum3A_875 = vector.multi_reduction <add>, %mul3A_873, %reduce_sum3A_874 [1] : vector<480x64xf32> to vector<480xf32>
    %broadcast_in_dim3A_876 = vector.shape_cast %reduce_sum3A_875 : vector<480xf32> to vector<480x1xf32>
    %slice3A_877 = vector.extract_strided_slice %dot_general3A_869 {offsets = [0, 64], sizes = [480, 64], strides = [1, 1]} : vector<480x128xf32> to vector<480x64xf32>
    %mul3A_878 = arith.mulf %convert_element_type3A_866, %slice3A_877 : vector<480x64xf32>
    %reduce_sum3A_879 = arith.constant dense<0.000000e+00> : vector<480xf32>
    %reduce_sum3A_880 = vector.multi_reduction <add>, %mul3A_878, %reduce_sum3A_879 [1] : vector<480x64xf32> to vector<480xf32>
    %broadcast_in_dim3A_881 = vector.shape_cast %reduce_sum3A_880 : vector<480xf32> to vector<480x1xf32>
    %mul3A_882 = arith.mulf %convert_element_type3A_866, %dot_general3A_871 : vector<480x64xf32>
    %reduce_sum3A_883 = arith.constant dense<0.000000e+00> : vector<480xf32>
    %reduce_sum3A_884 = vector.multi_reduction <add>, %mul3A_882, %reduce_sum3A_883 [1] : vector<480x64xf32> to vector<480xf32>
    %broadcast_in_dim3A_885 = vector.shape_cast %reduce_sum3A_884 : vector<480xf32> to vector<480x1xf32>
    %slice3A_886 = vector.extract_strided_slice %get3A_794 {offsets = [0, 7], sizes = [480, 1], strides = [1, 1]} : vector<480x8xf32> to vector<480x1xf32>
    %mul3A_887 = arith.mulf %slice3A_886, %broadcast_in_dim3A_876 : vector<480x1xf32>
    %mul3A_888 = arith.mulf %slice3A_886, %broadcast_in_dim3A_881 : vector<480x1xf32>
    %mul3A_889 = arith.mulf %slice3A_886, %broadcast_in_dim3A_885 : vector<480x1xf32>
    %concatenate3A_890 = tpu.concatenate %mul3A_887, %mul3A_888, %mul3A_889 in 1 : vector<480x1xf32>, vector<480x1xf32>, vector<480x1xf32> -> vector<480x3xf32>
    %gt3A_891 = arith.constant 9.900000e-01 : f32
    %gt3A_892 = vector.broadcast %gt3A_891 : f32 to vector<480x1xf32>
    %gt3A_893 = arith.cmpf ogt, %broadcast_in_dim3A_840, %gt3A_892 : vector<480x1xf32>
    %sub3A_894 = arith.constant 1.000000e+00 : f32
    %sub3A_895 = vector.broadcast %sub3A_894 : f32 to vector<480x1xf32>
    %sub3A_896 = arith.subf %sub3A_895, %broadcast_in_dim3A_840 : vector<480x1xf32>
    %mul3A_897 = arith.constant 1.000000e+02 : f32
    %mul3A_898 = vector.broadcast %mul3A_897 : f32 to vector<480x1xf32>
    %mul3A_899 = arith.mulf %sub3A_896, %mul3A_898 : vector<480x1xf32>
    %jit3A_900 = arith.constant 0.00999999977 : f32
    %jit3A_901 = arith.constant 1.000000e+01 : f32
    %max3A_902 = vector.broadcast %jit3A_900 : f32 to vector<480x1xf32>
    %max3A_903 = arith.maximumf %max3A_902, %mul3A_899 : vector<480x1xf32>
    %min3A_904 = vector.broadcast %jit3A_901 : f32 to vector<480x1xf32>
    %min3A_905 = arith.minimumf %min3A_904, %max3A_903 : vector<480x1xf32>
    %slice3A_906 = vector.extract_strided_slice %get3A_794 {offsets = [0, 0], sizes = [480, 3], strides = [1, 1]} : vector<480x8xf32> to vector<480x3xf32>
    %broadcast_in_dim3A_907 = vector.shape_cast %gt3A_893 : vector<480x1xi1> to vector<480x1xi1>
    %broadcast_in_dim3A_908 = vector.broadcast %broadcast_in_dim3A_907 : vector<480x1xi1> to vector<480x3xi1>
    %select_n3A_909 = arith.select %broadcast_in_dim3A_908, %concatenate3A_890, %slice3A_906 : vector<480x3xi1>, vector<480x3xf32>
    %swap3A_910 = arith.constant 2880 : index
    %swap3A_911 = arith.constant 0 : index
    %swap3A_912 = vector.load %arg9[%swap3A_910, %swap3A_911] : memref<3840x3xf32, #tpu.memory_space<vmem>>, vector<480x3xf32>
    tpu.vector_store %arg9[%swap3A_910, %swap3A_911], %select_n3A_909 {strides = array<i32>} : memref<3840x3xf32, #tpu.memory_space<vmem>>, vector<480x3xf32>,
    %jit3A_913 = arith.constant 1.000000e+01 : f32
    %broadcast_in_dim3A_914 = vector.broadcast %jit3A_913 : f32 to vector<480x1xf32>
    %select_n3A_915 = arith.select %gt3A_893, %min3A_905, %broadcast_in_dim3A_914 : vector<480x1xi1>, vector<480x1xf32>
    %swap3A_916 = arith.constant 2880 : index
    %swap3A_917 = arith.constant 0 : index
    %swap3A_918 = vector.load %arg10[%swap3A_916, %swap3A_917] : memref<3840x1xf32, #tpu.memory_space<vmem>>, vector<480x1xf32>
    tpu.vector_store %arg10[%swap3A_916, %swap3A_917], %select_n3A_915 {strides = array<i32>} : memref<3840x1xf32, #tpu.memory_space<vmem>>, vector<480x1xf32>,
    %convert_element_type3A_919 = arith.sitofp %broadcast_in_dim3A_862 : vector<480x1xi32> to vector<480x1xf32>
    %jit3A_920 = arith.constant -1.000000e+00 : f32
    %broadcast_in_dim3A_921 = vector.broadcast %jit3A_920 : f32 to vector<480x1xf32>
    %select_n3A_922 = arith.select %gt3A_893, %convert_element_type3A_919, %broadcast_in_dim3A_921 : vector<480x1xi1>, vector<480x1xf32>
    %swap3A_923 = arith.constant 2880 : index
    %swap3A_924 = arith.constant 0 : index
    %swap3A_925 = vector.load %arg11[%swap3A_923, %swap3A_924] : memref<3840x1xf32, #tpu.memory_space<vmem>>, vector<480x1xf32>
    tpu.vector_store %arg11[%swap3A_923, %swap3A_924], %select_n3A_922 {strides = array<i32>} : memref<3840x1xf32, #tpu.memory_space<vmem>>, vector<480x1xf32>,
    %get3A_926 = arith.constant 3360 : index
    %get3A_927 = arith.constant 0 : index
    %get3A_928 = vector.load %arg1[%get3A_926, %get3A_927] : memref<3840x8xf32, #tpu.memory_space<vmem>>, vector<480x8xf32>
    %mul3A_929 = arith.mulf %get3A_928, %get3A_928 : vector<480x8xf32>
    %dot_general3A_930 = arith.constant dense<0.000000e+00> : vector<480x128xf32>
    %dot_general3A_931 = tpu.matmul %mul3A_929, %get3A_8, %dot_general3A_930 {dimension_numbers = #tpu.dot_dimension_numbers<[1], [0], [0], [1], [0, 0, 1, 1], [], []>, transpose_lhs_hint = false} : vector<480x8xf32>, vector<8x128xf32>, vector<480x128xf32> -> vector<480x128xf32>
    %max3A_932 = arith.constant 1.000000e-24 : f32
    %max3A_933 = vector.broadcast %max3A_932 : f32 to vector<480x128xf32>
    %max3A_934 = arith.maximumf %dot_general3A_931, %max3A_933 : vector<480x128xf32>
    %rsqrt3A_935 = math.rsqrt %max3A_934 : vector<480x128xf32>
    %slice3A_936 = vector.extract_strided_slice %rsqrt3A_935 {offsets = [0, 0], sizes = [480, 8], strides = [1, 1]} : vector<480x128xf32> to vector<480x8xf32>
    %mul3A_937 = arith.mulf %get3A_928, %slice3A_936 : vector<480x8xf32>
    %eq3A_938 = arith.constant 3 : i32
    %eq3A_939 = vector.broadcast %eq3A_938 : i32 to vector<480x8xi32>
    %eq3A_940 = arith.cmpi eq, %iota3A, %eq3A_939 : vector<480x8xi32>
    %jit3A_941 = arith.constant 1.000000e+00 : f32
    %broadcast_in_dim3A_942 = vector.broadcast %jit3A_941 : f32 to vector<480x8xf32>
    %select_n3A_943 = arith.select %eq3A_940, %broadcast_in_dim3A_942, %mul3A_937 : vector<480x8xi1>, vector<480x8xf32>
    %dot_general3A_944 = arith.constant dense<0.000000e+00> : vector<480x128xf32>
    %dot_general3A_945 = tpu.matmul %select_n3A_943, %get3A_5, %dot_general3A_944 {dimension_numbers = #tpu.dot_dimension_numbers<[1], [0], [0], [1], [0, 0, 1, 1], [], []>, transpose_lhs_hint = false} : vector<480x8xf32>, vector<8x128xf32>, vector<480x128xf32> -> vector<480x128xf32>
    %mul3A_946 = arith.mulf %dot_general3A_945, %get3A_2 : vector<480x128xf32>
    %get3A_947 = arith.constant 224 : index
    %get3A_948 = arith.constant 0 : index
    %get3A_949 = vector.load %arg2[%get3A_947, %get3A_948] : memref<256x64xf32, #tpu.memory_space<vmem>>, vector<32x64xf32>
    %get3A_950 = arith.constant 224 : index
    %get3A_951 = arith.constant 0 : index
    %get3A_952 = vector.load %arg3[%get3A_950, %get3A_951] : memref<256x64xf32, #tpu.memory_space<vmem>>, vector<32x64xf32>
    %get3A_953 = arith.constant 224 : index
    %get3A_954 = arith.constant 0 : index
    %get3A_955 = vector.load %arg4[%get3A_953, %get3A_954] : memref<256x64xf32, #tpu.memory_space<vmem>>, vector<32x64xf32>
    %mul3A_956 = arith.mulf %get3A_949, %get3A_949 : vector<32x64xf32>
    %mul3A_957 = arith.mulf %get3A_952, %get3A_952 : vector<32x64xf32>
    %add3A_958 = arith.addf %mul3A_956, %mul3A_957 : vector<32x64xf32>
    %mul3A_959 = arith.mulf %get3A_955, %get3A_955 : vector<32x64xf32>
    %add3A_960 = arith.addf %add3A_958, %mul3A_959 : vector<32x64xf32>
    %lt3A_961 = arith.constant 9.99999993E-9 : f32
    %lt3A_962 = vector.broadcast %lt3A_961 : f32 to vector<32x64xf32>
    %lt3A_963 = arith.cmpf olt, %add3A_960, %lt3A_962 : vector<32x64xf32>
    %jit3A_964 = arith.constant -1.000000e+30 : f32
    %jit3A_965 = arith.constant 0.000000e+00 : f32
    %broadcast_in_dim3A_966 = vector.broadcast %jit3A_964 : f32 to vector<32x64xf32>
    %broadcast_in_dim3A_967 = vector.broadcast %jit3A_965 : f32 to vector<32x64xf32>
    %select_n3A_968 = arith.select %lt3A_963, %broadcast_in_dim3A_966, %broadcast_in_dim3A_967 : vector<32x64xi1>, vector<32x64xf32>
    %concatenate3A_969 = tpu.concatenate %get3A_949, %get3A_952, %get3A_955, %select_n3A_968 in 0 : vector<32x64xf32>, vector<32x64xf32>, vector<32x64xf32>, vector<32x64xf32> -> vector<128x64xf32>
    %dot_general3A_970 = arith.constant dense<0.000000e+00> : vector<480x64xf32>
    %dot_general3A_971 = tpu.matmul %mul3A_946, %concatenate3A_969, %dot_general3A_970 {dimension_numbers = #tpu.dot_dimension_numbers<[1], [0], [0], [1], [0, 0, 1, 1], [], []>, transpose_lhs_hint = false} : vector<480x128xf32>, vector<128x64xf32>, vector<480x64xf32> -> vector<480x64xf32>
    %reduce_max3A_972 = arith.constant dense<0xFF800000> : vector<480xf32>
    %reduce_max3A_973 = vector.multi_reduction <maximumf>, %dot_general3A_971, %reduce_max3A_972 [1] : vector<480x64xf32> to vector<480xf32>
    %broadcast_in_dim3A_974 = vector.shape_cast %reduce_max3A_973 : vector<480xf32> to vector<480x1xf32>
    %sub3A_975 = vector.broadcast %broadcast_in_dim3A_974 : vector<480x1xf32> to vector<480x64xf32>
    %sub3A_976 = arith.subf %dot_general3A_971, %sub3A_975 : vector<480x64xf32>
    %exp3A_977 = math.exp %sub3A_976 : vector<480x64xf32>
    %reduce_sum3A_978 = arith.constant dense<0.000000e+00> : vector<480xf32>
    %reduce_sum3A_979 = vector.multi_reduction <add>, %exp3A_977, %reduce_sum3A_978 [1] : vector<480x64xf32> to vector<480xf32>
    %broadcast_in_dim3A_980 = vector.shape_cast %reduce_sum3A_979 : vector<480xf32> to vector<480x1xf32>
    %div3A_981 = arith.constant 1.000000e+00 : f32
    %div3A_982 = vector.broadcast %div3A_981 : f32 to vector<480x1xf32>
    %div3A_983 = arith.divf %div3A_982, %broadcast_in_dim3A_980 : vector<480x1xf32>
    %mul3A_984 = vector.broadcast %div3A_983 : vector<480x1xf32> to vector<480x64xf32>
    %mul3A_985 = arith.mulf %exp3A_977, %mul3A_984 : vector<480x64xf32>
    %swap3A_986 = arith.constant 3360 : index
    %swap3A_987 = arith.constant 0 : index
    %swap3A_988 = vector.load %arg8[%swap3A_986, %swap3A_987] : memref<3840x64xf32, #tpu.memory_space<vmem>>, vector<480x64xf32>
    tpu.vector_store %arg8[%swap3A_986, %swap3A_987], %mul3A_985 {strides = array<i32>} : memref<3840x64xf32, #tpu.memory_space<vmem>>, vector<480x64xf32>,
    %eq3A_989 = vector.broadcast %div3A_983 : vector<480x1xf32> to vector<480x64xf32>
    %eq3A_990 = arith.cmpf oeq, %mul3A_985, %eq3A_989 : vector<480x64xf32>
    %jit3A_991 = arith.constant 64 : i32
    %broadcast_in_dim3A_992 = vector.broadcast %jit3A_991 : i32 to vector<480x64xi32>
    %select_n3A_993 = arith.select %eq3A_990, %iota3A_0, %broadcast_in_dim3A_992 : vector<480x64xi1>, vector<480x64xi32>
    %reduce_min3A_994 = arith.constant dense<2147483647> : vector<480xi32>
    %reduce_min3A_995 = vector.multi_reduction <minsi>, %select_n3A_993, %reduce_min3A_994 [1] : vector<480x64xi32> to vector<480xi32>
    %broadcast_in_dim3A_996 = vector.shape_cast %reduce_min3A_995 : vector<480xi32> to vector<480x1xi32>
    %eq3A_997 = vector.broadcast %broadcast_in_dim3A_996 : vector<480x1xi32> to vector<480x64xi32>
    %eq3A_998 = arith.cmpi eq, %iota3A_0, %eq3A_997 : vector<480x64xi32>
    %convert_element_type3A_999 = arith.extui %eq3A_998 : vector<480x64xi1> to vector<480x64xi32>
    %convert_element_type3A_1000 = arith.sitofp %convert_element_type3A_999 : vector<480x64xi32> to vector<480x64xf32>
    %concatenate3A_1001 = tpu.concatenate %get3A_949, %get3A_952 in 1 : vector<32x64xf32>, vector<32x64xf32> -> vector<32x128xf32>
    %dot_general3A_1002 = arith.constant dense<0.000000e+00> : vector<480x128xf32>
    %dot_general3A_1003 = tpu.matmul %slice3A, %concatenate3A_1001, %dot_general3A_1002 {dimension_numbers = #tpu.dot_dimension_numbers<[1], [0], [0], [1], [0, 0, 1, 1], [], []>, transpose_lhs_hint = false} : vector<480x32xf32>, vector<32x128xf32>, vector<480x128xf32> -> vector<480x128xf32>
    %dot_general3A_1004 = arith.constant dense<0.000000e+00> : vector<480x64xf32>
    %dot_general3A_1005 = tpu.matmul %slice3A, %get3A_955, %dot_general3A_1004 {dimension_numbers = #tpu.dot_dimension_numbers<[1], [0], [0], [1], [0, 0, 1, 1], [], []>, transpose_lhs_hint = false} : vector<480x32xf32>, vector<32x64xf32>, vector<480x64xf32> -> vector<480x64xf32>
    %slice3A_1006 = vector.extract_strided_slice %dot_general3A_1003 {offsets = [0, 0], sizes = [480, 64], strides = [1, 1]} : vector<480x128xf32> to vector<480x64xf32>
    %mul3A_1007 = arith.mulf %convert_element_type3A_1000, %slice3A_1006 : vector<480x64xf32>
    %reduce_sum3A_1008 = arith.constant dense<0.000000e+00> : vector<480xf32>
    %reduce_sum3A_1009 = vector.multi_reduction <add>, %mul3A_1007, %reduce_sum3A_1008 [1] : vector<480x64xf32> to vector<480xf32>
    %broadcast_in_dim3A_1010 = vector.shape_cast %reduce_sum3A_1009 : vector<480xf32> to vector<480x1xf32>
    %slice3A_1011 = vector.extract_strided_slice %dot_general3A_1003 {offsets = [0, 64], sizes = [480, 64], strides = [1, 1]} : vector<480x128xf32> to vector<480x64xf32>
    %mul3A_1012 = arith.mulf %convert_element_type3A_1000, %slice3A_1011 : vector<480x64xf32>
    %reduce_sum3A_1013 = arith.constant dense<0.000000e+00> : vector<480xf32>
    %reduce_sum3A_1014 = vector.multi_reduction <add>, %mul3A_1012, %reduce_sum3A_1013 [1] : vector<480x64xf32> to vector<480xf32>
    %broadcast_in_dim3A_1015 = vector.shape_cast %reduce_sum3A_1014 : vector<480xf32> to vector<480x1xf32>
    %mul3A_1016 = arith.mulf %convert_element_type3A_1000, %dot_general3A_1005 : vector<480x64xf32>
    %reduce_sum3A_1017 = arith.constant dense<0.000000e+00> : vector<480xf32>
    %reduce_sum3A_1018 = vector.multi_reduction <add>, %mul3A_1016, %reduce_sum3A_1017 [1] : vector<480x64xf32> to vector<480xf32>
    %broadcast_in_dim3A_1019 = vector.shape_cast %reduce_sum3A_1018 : vector<480xf32> to vector<480x1xf32>
    %slice3A_1020 = vector.extract_strided_slice %get3A_928 {offsets = [0, 7], sizes = [480, 1], strides = [1, 1]} : vector<480x8xf32> to vector<480x1xf32>
    %mul3A_1021 = arith.mulf %slice3A_1020, %broadcast_in_dim3A_1010 : vector<480x1xf32>
    %mul3A_1022 = arith.mulf %slice3A_1020, %broadcast_in_dim3A_1015 : vector<480x1xf32>
    %mul3A_1023 = arith.mulf %slice3A_1020, %broadcast_in_dim3A_1019 : vector<480x1xf32>
    %concatenate3A_1024 = tpu.concatenate %mul3A_1021, %mul3A_1022, %mul3A_1023 in 1 : vector<480x1xf32>, vector<480x1xf32>, vector<480x1xf32> -> vector<480x3xf32>
    %gt3A_1025 = arith.constant 9.900000e-01 : f32
    %gt3A_1026 = vector.broadcast %gt3A_1025 : f32 to vector<480x1xf32>
    %gt3A_1027 = arith.cmpf ogt, %broadcast_in_dim3A_974, %gt3A_1026 : vector<480x1xf32>
    %sub3A_1028 = arith.constant 1.000000e+00 : f32
    %sub3A_1029 = vector.broadcast %sub3A_1028 : f32 to vector<480x1xf32>
    %sub3A_1030 = arith.subf %sub3A_1029, %broadcast_in_dim3A_974 : vector<480x1xf32>
    %mul3A_1031 = arith.constant 1.000000e+02 : f32
    %mul3A_1032 = vector.broadcast %mul3A_1031 : f32 to vector<480x1xf32>
    %mul3A_1033 = arith.mulf %sub3A_1030, %mul3A_1032 : vector<480x1xf32>
    %jit3A_1034 = arith.constant 0.00999999977 : f32
    %jit3A_1035 = arith.constant 1.000000e+01 : f32
    %max3A_1036 = vector.broadcast %jit3A_1034 : f32 to vector<480x1xf32>
    %max3A_1037 = arith.maximumf %max3A_1036, %mul3A_1033 : vector<480x1xf32>
    %min3A_1038 = vector.broadcast %jit3A_1035 : f32 to vector<480x1xf32>
    %min3A_1039 = arith.minimumf %min3A_1038, %max3A_1037 : vector<480x1xf32>
    %slice3A_1040 = vector.extract_strided_slice %get3A_928 {offsets = [0, 0], sizes = [480, 3], strides = [1, 1]} : vector<480x8xf32> to vector<480x3xf32>
    %broadcast_in_dim3A_1041 = vector.shape_cast %gt3A_1027 : vector<480x1xi1> to vector<480x1xi1>
    %broadcast_in_dim3A_1042 = vector.broadcast %broadcast_in_dim3A_1041 : vector<480x1xi1> to vector<480x3xi1>
    %select_n3A_1043 = arith.select %broadcast_in_dim3A_1042, %concatenate3A_1024, %slice3A_1040 : vector<480x3xi1>, vector<480x3xf32>
    %swap3A_1044 = arith.constant 3360 : index
    %swap3A_1045 = arith.constant 0 : index
    %swap3A_1046 = vector.load %arg9[%swap3A_1044, %swap3A_1045] : memref<3840x3xf32, #tpu.memory_space<vmem>>, vector<480x3xf32>
    tpu.vector_store %arg9[%swap3A_1044, %swap3A_1045], %select_n3A_1043 {strides = array<i32>} : memref<3840x3xf32, #tpu.memory_space<vmem>>, vector<480x3xf32>,
    %jit3A_1047 = arith.constant 1.000000e+01 : f32
    %broadcast_in_dim3A_1048 = vector.broadcast %jit3A_1047 : f32 to vector<480x1xf32>
    %select_n3A_1049 = arith.select %gt3A_1027, %min3A_1039, %broadcast_in_dim3A_1048 : vector<480x1xi1>, vector<480x1xf32>
    %swap3A_1050 = arith.constant 3360 : index
    %swap3A_1051 = arith.constant 0 : index
    %swap3A_1052 = vector.load %arg10[%swap3A_1050, %swap3A_1051] : memref<3840x1xf32, #tpu.memory_space<vmem>>, vector<480x1xf32>
    tpu.vector_store %arg10[%swap3A_1050, %swap3A_1051], %select_n3A_1049 {strides = array<i32>} : memref<3840x1xf32, #tpu.memory_space<vmem>>, vector<480x1xf32>,
    %convert_element_type3A_1053 = arith.sitofp %broadcast_in_dim3A_996 : vector<480x1xi32> to vector<480x1xf32>
    %jit3A_1054 = arith.constant -1.000000e+00 : f32
    %broadcast_in_dim3A_1055 = vector.broadcast %jit3A_1054 : f32 to vector<480x1xf32>
    %select_n3A_1056 = arith.select %gt3A_1027, %convert_element_type3A_1053, %broadcast_in_dim3A_1055 : vector<480x1xi1>, vector<480x1xf32>
    %swap3A_1057 = arith.constant 3360 : index
    %swap3A_1058 = arith.constant 0 : index
    %swap3A_1059 = vector.load %arg11[%swap3A_1057, %swap3A_1058] : memref<3840x1xf32, #tpu.memory_space<vmem>>, vector<480x1xf32>
    tpu.vector_store %arg11[%swap3A_1057, %swap3A_1058], %select_n3A_1056 {strides = array<i32>} : memref<3840x1xf32, #tpu.memory_space<vmem>>, vector<480x1xf32>,
    return
  }
  func.func @transform_0(%arg0: i32) -> (i32, i32) {
    %c0_i32 = arith.constant 0 : i32
    %c0_i32_0 = arith.constant 0 : i32
    return %arg0, %c0_i32 : i32, i32
  }
  func.func @transform_1(%arg0: i32) -> (i32, i32) {
    %c0_i32 = arith.constant 0 : i32
    %c0_i32_0 = arith.constant 0 : i32
    return %arg0, %c0_i32 : i32, i32
  }
  func.func @transform_2(%arg0: i32) -> (i32, i32) {
    %c0_i32 = arith.constant 0 : i32
    %c0_i32_0 = arith.constant 0 : i32
    return %arg0, %c0_i32 : i32, i32
  }
  func.func @transform_3(%arg0: i32) -> (i32, i32) {
    %c0_i32 = arith.constant 0 : i32
    %c0_i32_0 = arith.constant 0 : i32
    return %arg0, %c0_i32 : i32, i32
  }
  func.func @transform_4(%arg0: i32) -> (i32, i32) {
    %c0_i32 = arith.constant 0 : i32
    %c0_i32_0 = arith.constant 0 : i32
    %c0_i32_1 = arith.constant 0 : i32
    return %c0_i32, %c0_i32_0 : i32, i32
  }
  func.func @transform_5(%arg0: i32) -> (i32, i32) {
    %c0_i32 = arith.constant 0 : i32
    %c0_i32_0 = arith.constant 0 : i32
    %c0_i32_1 = arith.constant 0 : i32
    return %c0_i32, %c0_i32_0 : i32, i32
  }
  func.func @transform_6(%arg0: i32) -> (i32, i32) {
    %c0_i32 = arith.constant 0 : i32
    %c0_i32_0 = arith.constant 0 : i32
    %c0_i32_1 = arith.constant 0 : i32
    return %c0_i32, %c0_i32_0 : i32, i32
  }
  func.func @transform_7(%arg0: i32) -> (i32, i32) {
    %c0_i32 = arith.constant 0 : i32
    %c0_i32_0 = arith.constant 0 : i32
    return %arg0, %c0_i32 : i32, i32
  }
  func.func @transform_8(%arg0: i32) -> (i32, i32) {
    %c0_i32 = arith.constant 0 : i32
    %c0_i32_0 = arith.constant 0 : i32
    return %arg0, %c0_i32 : i32, i32
  }
  func.func @transform_9(%arg0: i32) -> (i32, i32) {
    %c0_i32 = arith.constant 0 : i32
    %c0_i32_0 = arith.constant 0 : i32
    return %arg0, %c0_i32 : i32, i32
  }
  func.func @transform_10(%arg0: i32) -> (i32, i32) {
    %c0_i32 = arith.constant 0 : i32
    %c0_i32_0 = arith.constant 0 : i32
    return %arg0, %c0_i32 : i32, i32
  }
}

</mosaic_0001>

<sc_bundles>
// kernel: sparse-core-data-format-call.cloned.1.call-start
scs
called_computation_lowered:
.L_overlay_start_0:
0x0: {  	s2 =	sld [smem:$0x3FD9]  }
0x1: {  	s3 =	sld [smem:$0x3FFE];
	_ =	sdelay $0x1  }
0x2: {  	s1 =	srdreg.scid  }
0x3: {  	s0 =	sand.u32 $0x1, s1  }
0x4: {  	s15 =	sshll.u32 s0, $0xA;
	s2 =	sadd.s32 s3, s2  }
0x5: {  	s2 =	sadd.s32 s2, s15  }
0x6: {  	[smem:$0x3FC6] =	sst s2  }
0x7: {  	_ = 	snop  }
0x8: {  	s2 =	sld [smem:$0x3FD0];
	_ =	sdelay $0x2  }
0x9: {  	s16 =	simm.s32 $0xA;
	s4 =	simm.s32 $0x10  }
0xa: {  	[smem:s4], [sflag:s16] =	dma.local [hbm:s2], $0x1  }
0xb: {  	_ =	swait.eq [sflag:s16], $0x1  }
0xc: {  	[sflag:s16] =	ssyncset.done $0x0  }
0xd: {  	[sflag:s16] =	ssyncadd.s32 $0xFFFFFFFF  }
0xe: {  	s17 =	sld [smem:$0x10];
	(tm) =	ssettm $0x1  }
0xf: {  	s18 =	sld [smem:$0x3FFB];
	_ =	sdelay $0x3  }
0x10: {  	_ =	strace s18  }
0x11: {  	s3 =	sld [smem:$0x3FFC];
	_ =	sdelay $0x3  }
0x12: {  	_ =	strace s3  }
0x13: {  	s3 =	sld [smem:$0x3FFD];
	_ =	sdelay $0x3  }
0x14: {  	_ =	strace s3  }
0x15: {  	_ =	strace $0x8FFFFFFF  }
0x16: {  	s19 =	sld [smem:$0x3FDB];
	_ =	sdelay $0x1  }
0x17: {  	s20 =	simm.s32 $_scs_section_size  }
0x18: {  	s5 =	simm.s32 $_size__tile_overlayer_lowered;
	s6 =	simm.s32 $_tile_overlayer_lowered  }
0x19: {  	s23 =	simm.s32 $0x1BFF;
	s22 =	sshll.u32 s6, $0x1;
	s3 =	sadd.s32 s20, s19  }
0x1a: {  	s7 =	simm.s32 $0x0;
	s21 =	sshll.u32 s5, $0x1;
	s5 =	sadd.s32 s22, s3  }
0x1b: {  	[timem:s7], [sflag:s23] =	dma.local [hbm:s5], s21  }
0x1c: {  	_ =	swait.ge [sflag:s23], s21  }
0x1d: {  	s4 =	ssub.s32 $0x0, s21;
	[sflag:s23] =	ssyncset.done $0x0  }
0x1e: {  	[sflag:s23] =	ssyncadd.s32 s4;
	_ =	sdelay $0x1  }
0x1f: {  	s24 =	simm.s32 $0x1B8B  }
0x20: {  	_ =	swait.ge [sflag:s24], $0x1  }
0x21: {  	[sflag:s24] =	ssyncset.done $0x0  }
0x22: {  	s26 =	simm.s32 $0x1B8E;
	s25 =	sld [smem:$0x3FFE];
	[sflag:s24] =	ssyncadd.s32 $0xFFFFFFFF  }
0x23: {  	s27 =	simm.s32 $execute0_lowered;
	[smem:$0x3FD2] =	sst s26  }
0x24: {  	s5 =	sshll.u32 s27, $0x1;
	_ =	strace $0x80000046;
	[dreg:$0x1] =	wrdreg $0xFFFFFFFF  }
0x25: {  	s28 =	simm.s32 $_size_execute0_lowered;
	s3 =	sadd.s32 s3, s5;
	[dreg:$0x0] =	wrdreg $0x0  }
0x26: {  	s5 =	sshll.u32 s28, $0x1;
	[dreg:$0x2] =	wrdreg s3  }
0x27: {  	[dreg:$0x3] =	wrdreg s5  }
0x28: {  	[dreg:$0x4] =	wrdreg $0xC0  }
0x29: {  	_ =	task [dreg:s7], $0x5FFFF  }
0x2a: {  	[dreg:$0x1] =	wrdreg $0xFFFFFFFF  }
0x2b: {  	[dreg:$0x0] =	wrdreg $0x60  }
0x2c: {  	[dreg:$0x2] =	wrdreg s25  }
0x2d: {  	[dreg:$0x3] =	wrdreg s17  }
0x2e: {  	[dreg:$0x4] =	wrdreg $0x9  }
0x2f: {  	_ =	task.clear_ibuf [dreg:s7], $0x5FFFF;
	_ =	strace $0x90000046  }
0x30: {  	s29 =	simm.s32 $0x9;
	_ =	strace $0x80000048  }
0x31: {  	_ =	swait.ge [sflag:s29], $0x1  }
0x32: {  	[sflag:s29] =	ssyncadd.s32 $0xFFFFFFFF  }
0x33: {  	_ =	strace $0x90000048  }
0x34: {  	_ =	sfence  }
0x35: {  	s30 =	sld [smem:$0x0];
	_ =	sdelay $0x2  }
0x36: {  	s31 =	sshll.u32 s1, $0xD;
	s1 =	sshrl.u32 s1, $0x2  }
0x37: {  	s3 =	sand.u32 $0x4000, s31;
	s1 =	sadd.s32 s1, s30  }
0x38: {  	s0 =	sor.u32 s3, s0;
	s1 =	sshll.u32 s1, $0x11  }
0x39: {  	s0 =	sor.u32 s1, s0  }
0x3a: {  	s0 =	sadd.s32 $0x8F2B, s0  }
0x3b: {  	[sflag:s0] =	ssyncadd.remote.s32 $0x1  }
0x3c: {  	_ =	sfence.sel $0xFFFF  }
0x3d: {  	[dreg:$0x0] =	wrdreg $0xFFFFFFFF;
	(pc) =	sbr.abs _section_cstart, $3  }
0x3e: {  	[dreg:$0x1] =	wrdreg $0xFFFFFFFF  }
0x3f: {  	_ =	task.clear_ibuf [dreg:s7], $0x2FFFF;
	_ =	strace $0x9FFFFFFF  }
0x40: {  	(tm) =	ssettm $0x7FFFFFFF  }
0x41: {  	_ =	shalt  }
tec
execute0_lowered:
.L_overlay_start_1:
0x0: {  	(tag) =	ssettag $0x1  }
0x1: {  	s0 =	srdreg.scid  }
0x2: {  	s1 =	sshll.u32 s0, $0x4  }
0x3: {  	s0 =	stileid.u32;
	s1 =	sand.u32 $0x10, s1  }
0x4: {  	s1 =	sor.u32 s0, s1  }
0x5: {  	s6 =	rddreg [dreg:$0x0];
	s4 =	simm.s32 $0x1;
	s2 =	sshll.u32 s1, $0x7  }
0x6: {  	s7 =	simm.s32 $0x2;
	s12 =	simm.s32 $0x0;
	s1 =	ssub.s32 $0x8000, s2  }
0x7: {  	s8 =	simm.s32 $0x40000;
	s13 =	simm.s32 $0x0;
	s3 =	sand.u32 $0xF80, s1  }
0x8: {  	s9 =	simm.s32 $0x0;
	s5 =	sshrl.u32 s1, $0xC;
	p0 =	sne.s32 s3, $0x0  }
.Ltmp0:
0x9: {  	s1 =	rddreg [dreg:$0x2];
	s4 =	simm.s32 @!p0 $0x0;
	(pc) =	sbr.rel .LBB1_1-.Ltmp0, $4  }
0xa: {  	s11 =	simm.s32 $0x0;
	s3 =	rddreg [dreg:$0x1];
	s5 =	sadd.s32 s4, s5  }
0xb: {  	_ =	strace $0x80000047;
	s4 =	simm.s32 $0x1;
	s5 =	smul.u32 $0xF, s5  }
0xc: {  	s6 =	sadd.s32 $0x1200, s6;
	s10 =	smov.u32 s2;
	[sflag:s4] =	ssyncpa.u1 $0x0  }
0xd: {  	p0 =	por $0x0, $0x0;
	[sflag:s7] =	ssyncpa.u1 $0x0;
	s7 =	sadd.s32 $0x1, s5  }
.LBB1_4:
0xe: {  	s16 =	sshll.u32 s13, $0x3;
	s17 =	sand.u32 $0x78, s13  }
0xf: {  	s30 =	sand.u32 $0x3F000, s13;
	s12 =	sshll.u32 s12, $0x12;
	s16 =	sand.u32 $0x7C00, s16  }
0x10: {  	[tilespmem:s15+$0x810 ss:$0x81] =	vst.msk $0xffff, v2;
	s31 =	sand.u32 $0x7, s13;
	s16 =	sor.u32 s17, s16;
	s17 =	sadd.s32 s3, s30  }
0x11: {  	[tilespmem:s15+$0x1020 ss:$0x81] =	vst.msk $0xffff, v0;
	s13 =	sshll.u32 s31, $0x12;
	s12 =	sadd.s32 s12, s17;
	s16 =	sshrl.u32 s16, $0x3  }
0x12: {  	[tilespmem:s15+$0x0 ss:$0x81] =	vst.msk $0xffff, v1;
	s13 =	sor.u32 $0x400, s13;
	s12 =	sadd.s32 s16, s12  }
0x13: {  	[hbm4b:s12+s13] =	stream.strided.scatter [tilespmem:s14], [sflag:$0x2], $0x2000, s8, s13, $0x20;
	[tilespmem:$0x8080] =	vst v63  }
.LBB1_5:
0x14: {  	s14 =	sadd.s32 $0x1, s9  }
0x15: {  	s12 =	sadd.s32 $0x1000, s10;
	s16 =	smov.u32 s10;
	p2 =	sgt.s32 s14, $0xE  }
0x16: {  	s16 =	smov.u32 @p2 s12  }
0x17: {  	s14 =	simm.s32 @p2 $0x0;
	p2 =	sgt.s32 s16, $0x7FFF  }
0x18: {  	s16 =	smov.u32 @p2 s2;
	p2 =	sne.s32 s11, s7  }
.Ltmp1:
0x19: {  	p1 =	slt.u32 s11, $0x2;
	(pc) =	sbr.rel @!p2 .LBB1_6-.Ltmp1, $4  }
0x1a: {  	s15 =	simm.s32 @!p1 $0x2  }
0x1b: {  	s13 =	smov.u32 s10;
	p0 =	por !p0, !p0;
	_ =	swait.ge @!p1 [sflag:s15], $0x2000  }
0x1c: {  	s12 =	smov.u32 s9;
	[sflag:s15] =	ssyncset.done @!p1 $0x0;
	s9 =	smov.u32 s14  }
0x1d: {  	s11 =	sadd.s32 $0x1, s11;
	[sflag:s15] =	ssyncadd.s32 @!p1 $0xFFFFE000;
	s10 =	smov.u32 s16  }
.LBB1_1:
0x1e: {  	p1 =	sge.u32 s11, s5  }
0x1f: {  	s31 =	sadd.s32 $0xFFFFFFFF, s11;
	s14 =	sxor.u32 @!p1 $0xFFFFFFFF, s11  }
0x20: {  	s15 =	sshll.u32 @!p1 s10, $0x8;
	s16 =	sshll.u32 @!p1 s9, $0x4;
	s17 =	simm.s32 @!p1 $0x800  }
0x21: {  	s14 =	sshll.u32 @!p1 s14, $0xD;
	s16 =	sand.u32 @!p1 $0xF0, s16;
	s15 =	sadd.s32 @!p1 s6, s15  }
0x22: {  	s14 =	sand.u32 @!p1 $0x2000, s14;
	s15 =	sadd.s32 @!p1 s16, s15;
	s16 =	simm.s32 @!p1 $0x40  }
0x23: {  	[tilespmem:s14], [sflag:$0x1] =	stream.strided.gather @!p1 [hbm4b:s15+s16], $0x2000, s17, s16, $0x38;
	[tilespmem:$0x8080] =	vst v63  }
0x24: {  	p1 =	sge.u32 s31, s5  }
.Ltmp2:
0x25: {  	_ = 	snop;
	(pc) =	sbr.rel @p1 .LBB1_5-.Ltmp2, $1  }
0x26: {  	_ =	sdelay $0x3  }
0x27: {  	s14 =	simm.s32 $0x1  }
0x28: {  	_ =	swait.ge [sflag:s4], $0x2000;
	s14 =	simm.s32 @!p0 $0x0  }
0x29: {  	[sflag:s4] =	ssyncset.done $0x0;
	s15 =	sshll.u32 s14, $0xD  }
0x2a: {  	[sflag:s4] =	ssyncadd.s32 $0xFFFFE000;
	s18 =	sor.u32 $0x20, s15  }
0x2b: {  	s14 =	smul.u32 $0x8100, s14;
	v3 =	vld [tilespmem:s18+$0x10]  }
0x2c: {  	s30 =	sand.u32 $0x1, s11;
	v2 =	vld [tilespmem:s18+$0xFFFFFFF0]  }
0x2d: {  	s15 =	smul.u32 $0x8100, s30;
	s14 =	sshrl.u32 s14, $0x2;
	v0 =	vld [tilespmem:s18+$0x0]  }
0x2e: {  	v1 =	vld [tilespmem:s18+$0xFFFFFFE0];
	s16 =	sor.u32 $0x4000, s14  }
0x2f: {  	s31 =	sshrl.u32 s15, $0x2;
	s15 =	sadd.s32 $0x0, s16  }
0x30: {  	s17 =	simm.s32 $0x4;
	s18 =	sadd.s32 $0x40, s18;
	s14 =	sor.u32 $0x4000, s31;
	[tilespmem:s15+$0x1830 ss:$0x81] =	vst.msk $0xffff, v3  }
.LBB1_3:
0x31: {  	v3 =	vld [tilespmem:s18+$0x10];
	p1 =	sne.s32 s17, $0x1FC;
	[tilespmem:s15+$0x810 ss:$0x81] =	vst.msk $0xffff, v2;
	s19 =	smov.u32 s17;
	s17 =	sadd.s32 $0x4, s17  }
.Ltmp3:
0x32: {  	v2 =	vld [tilespmem:s18+$0xFFFFFFF0];
	[tilespmem:s15+$0x1020 ss:$0x81] =	vst.msk $0xffff, v0;
	(pc) =	sbr.rel @p1 .LBB1_3-.Ltmp3, $4  }
0x33: {  	v0 =	vld [tilespmem:s18+$0x0];
	[tilespmem:s15+$0x0 ss:$0x81] =	vst.msk $0xffff, v1  }
0x34: {  	s15 =	sshra.s32 s19, $0x2;
	v1 =	vld [tilespmem:s18+$0xFFFFFFE0]  }
0x35: {  	s15 =	sadd.s32 s15, s16  }
0x36: {  	s18 =	sadd.s32 $0x40, s18;
	[tilespmem:s15+$0x1830 ss:$0x81] =	vst.msk $0xffff, v3  }
.Ltmp4:
0x37: {  	_ = 	snop;
	(pc) =	sbr.rel .LBB1_4-.Ltmp4, $1  }
0x38: {  	_ =	sdelay $0x3  }
.LBB1_6:
0x39: {  	_ =	sfence.sel $0x180000  }
0x3a: {  	s2 =	simm.s32 $0x1;
	[bflag:$0x0] =	sbarrier.arrive $0xFFFF  }
0x3b: {  	s31 =	simm.s32 $0x2;
	[sflag:s2] =	ssyncpa.u1 $0x1  }
0x3c: {  	[sflag:s31] =	ssyncpa.u1 $0x1  }
0x3d: {  	p0 =	sne.s32 s0, $0x0;
	_ =	strace $0x90000047  }
0x3e: {  	s0 =	sadd.s32 @!p0 $0x100000, s1;
	[bflag:$0x2] =	sbarrier.arrive $0xFFFF  }
0x3f: {  	[sflag:s0] =	ssyncadd.tile.s32 @!p0 $0x1;
	_ =	shalt  }
.Lfunc_end1:
_tile_overlayer_lowered:
.L_overlay_start_2:
0x40: {  	(tag) =	ssettag $0x2  }
0x41: {  	s0 =	rddreg [dreg:$0x0];
	s2 =	stileid.u32  }
0x42: {  	s1 =	rddreg [dreg:$0x1];
	p0 =	sne.s32 s2, $0x0  }
0x43: {  	s3 =	rddreg [dreg:$0x2];
	[bflag:$0x3] =	sbarrier.arrive $0xFFFF;
	s2 =	simm.s32 @!p0 $0x1C01  }
0x44: {  	[timem:s3], [sflag:s2] =	dma.local @!p0 [hbm:s0], s1  }
0x45: {  	s0 =	simm.s32 @!p0 $0x1  }
0x46: {  	_ =	swait.ge @!p0 [sflag:s0], s1  }
0x47: {  	s1 =	ssub.s32 @!p0 $0x0, s1;
	[sflag:s0] =	ssyncset.done @!p0 $0x0  }
0x48: {  	[sflag:s0] =	ssyncadd.s32 @!p0 s1  }
0x49: {  	[bflag:$0x3] =	sbarrier.arrive $0xFFFF  }
0x4a: {  	_ =	shalt  }

</sc_bundles>
